<compile_context>
chip_gen: v7x
topology: tpu7x:2x2x1
jax: 0.10.2.dev20260603
libtpu: 0.0.44.dev20260713+nightly
codegen_flags: <defaults>
</compile_context>

<pallas_src>
import functools

import jax
import jax.numpy as jnp
from jax import lax
from jax.experimental import pallas as pl
from jax.experimental.pallas import tpu as pltpu
from jax.experimental.pallas import tpu_sc as plsc

N = 100000
E = 200000
NC = 2
NS = 16
NW = NC * NS

LINK_CHUNK = 6272
NSUB = 4
SUBL = LINK_CHUNK // NSUB
HALF_N = N // 2
NODE_CHUNK = 3136


@functools.cache
def _mesh():
    return plsc.VectorSubcoreMesh(core_axis_name="c", subcore_axis_name="s",
                                  num_cores=NC, num_subcores=NS)


def _body(disch, status, head, tail, over, links_t, melt,
          out, signed, flags,
          d_v, s_v, h_v, t_v, oh_v, ot_v, o_v,
          idx_v, g_v, m_v, r_v, f_v,
          sem_in, sem_b, g0, g1, g2, g3, sem_out):
    sc = lax.axis_index("c")
    sid = lax.axis_index("s")
    wid = sid * NC + sc

    f_v[...] = jnp.zeros((16,), jnp.int32)
    pltpu.sync_copy(f_v, flags.at[pl.ds(sc * 16, 16)])

    base = jnp.minimum(wid * LINK_CHUNK, E - LINK_CHUNK)
    base = pl.multiple_of(base, 8)
    sl = pl.ds(base, LINK_CHUNK)
    cp_h = pltpu.async_copy(head.at[sl], h_v, sem_in)
    cp_t = pltpu.async_copy(tail.at[sl], t_v, sem_in)
    cp_d = pltpu.async_copy(disch.at[sl], d_v, sem_in)
    cp_s = pltpu.async_copy(status.at[sl], s_v, sem_in)

    nbase = sc * HALF_N + jnp.minimum(sid * NODE_CHUNK, HALF_N - NODE_CHUNK)
    nbase = pl.multiple_of(nbase, 8)
    icp = []
    for l in range(4):
        icp.append(pltpu.async_copy(
            links_t.at[pl.ds(l * N + nbase, NODE_CHUNK)],
            idx_v.at[pl.ds(l * NODE_CHUNK, NODE_CHUNK)], sem_b))
    cp_m = pltpu.async_copy(melt.at[pl.ds(nbase, NODE_CHUNK)], m_v, sem_b)

    cp_h.wait()
    cp_t.wait()

    gsem = [g0, g1, g2, g3]
    pend = []
    for c in range(NSUB):
        cs = pl.ds(c * SUBL, SUBL)
        pend.append((
            pltpu.async_copy(over.at[h_v.at[cs]], oh_v.at[cs], gsem[c]),
            pltpu.async_copy(over.at[t_v.at[cs]], ot_v.at[cs], gsem[c]),
        ))
    cp_d.wait()
    cp_s.wait()

    wb = []
    for c in range(NSUB):
        cg1, cg2 = pend[c]
        cg1.wait()
        cg2.wait()

        def body(i, carry, c=c):
            v = pl.ds(c * SUBL + i * 16, 16)
            d = jnp.where(s_v[v] == 4, 0.0, d_v[v])
            o_v[v] = jnp.where(oh_v[v] > ot_v[v], d, -d)
            return carry

        lax.fori_loop(0, SUBL // 16, body, 0)
        wb.append(pltpu.async_copy(
            o_v.at[pl.ds(c * SUBL, SUBL)],
            signed.at[pl.ds(base + c * SUBL, SUBL)], sem_out))
    for cp in wb:
        cp.wait()

    plsc.subcore_barrier()

    f_v[...] = jnp.ones((16,), jnp.int32)
    pltpu.sync_copy(f_v, flags.at[pl.ds(sc * 16, 16)])

    other = pl.multiple_of((1 - sc) * 16, 16)
    f_v[...] = jnp.zeros((16,), jnp.int32)

    def _outer(i, carry):
        @pl.when(f_v[pl.ds(0, 16)][0] == 0)
        def _spin():
            def _inner(j, c2):
                @pl.when(f_v[pl.ds(0, 16)][0] == 0)
                def _again():
                    pltpu.async_copy(flags.at[pl.ds(other, 16)], f_v,
                                     sem_in).wait()
                return c2
            lax.fori_loop(0, 16, _inner, 0)
        return carry

    lax.fori_loop(0, 64, _outer, 0)

    gpend = []
    for l in range(4):
        icp[l].wait()
        idx = idx_v.at[pl.ds(l * NODE_CHUNK, NODE_CHUNK)]
        dst = g_v.at[pl.ds(l * NODE_CHUNK, NODE_CHUNK)]
        gpend.append(pltpu.async_copy(signed.at[idx], dst, gsem[l]))

    for l in range(4):
        gpend[l].wait()
        if l == 3:
            cp_m.wait()
        gb = l * NODE_CHUNK

        def bodyb(j, carry, l=l, gb=gb):
            v = pl.ds(j * 16, 16)
            g = g_v[pl.ds(gb + j * 16, 16)]
            if l == 0:
                r_v[v] = g
            elif l == 3:
                r_v[v] = r_v[v] + g - m_v[v]
            else:
                r_v[v] = r_v[v] + g
            return carry

        lax.fori_loop(0, NODE_CHUNK // 16, bodyb, 0)

    pltpu.sync_copy(r_v, out.at[pl.ds(nbase, NODE_CHUNK)])


@functools.cache
def _fused_call():
    return pl.kernel(
        _body,
        out_type=(jax.ShapeDtypeStruct((N,), jnp.float32),
                  jax.ShapeDtypeStruct((E,), jnp.float32),
                  jax.ShapeDtypeStruct((NC * 16,), jnp.int32)),
        mesh=_mesh(),
        scratch_types=[
            pltpu.VMEM((LINK_CHUNK,), jnp.float32),
            pltpu.VMEM((LINK_CHUNK,), jnp.int32),
            pltpu.VMEM((LINK_CHUNK,), jnp.int32),
            pltpu.VMEM((LINK_CHUNK,), jnp.int32),
            pltpu.VMEM((LINK_CHUNK,), jnp.float32),
            pltpu.VMEM((LINK_CHUNK,), jnp.float32),
            pltpu.VMEM((LINK_CHUNK,), jnp.float32),
            pltpu.VMEM((NODE_CHUNK * 4,), jnp.int32),
            pltpu.VMEM((NODE_CHUNK * 4,), jnp.float32),
            pltpu.VMEM((NODE_CHUNK,), jnp.float32),
            pltpu.VMEM((NODE_CHUNK,), jnp.float32),
            pltpu.VMEM((16,), jnp.int32),
            pltpu.SemaphoreType.DMA,
            pltpu.SemaphoreType.DMA,
            pltpu.SemaphoreType.DMA,
            pltpu.SemaphoreType.DMA,
            pltpu.SemaphoreType.DMA,
            pltpu.SemaphoreType.DMA,
            pltpu.SemaphoreType.DMA,
        ],
    )


def kernel(discharge, overburden, melt_rate, status_at_link,
           node_at_link_head, node_at_link_tail, links_at_node):
    status = status_at_link.astype(jnp.int32)
    head = node_at_link_head.astype(jnp.int32)
    tail = node_at_link_tail.astype(jnp.int32)
    links_t = links_at_node.astype(jnp.int32).T.reshape(4 * N)
    out, _signed, _flags = _fused_call()(
        discharge, status, head, tail, overburden, links_t, melt_rate)
    return out

# --- scband reference (transcript-rebuilt; emitter-appended) ---
"""Pipeline reference for scband-steady-state-hydrology-5016521801911 (READ-ONLY COPY).

The authoritative reference and input builder live on the scoring server;
editing this copy changes nothing except your own understanding.
"""

import jax, jax.numpy as jnp
import numpy as np

N = 100000  # number_of_nodes
E = 200000  # number_of_links
L = 4       # links_per_node (raster-style grid)


def setup_inputs(seed: int = 0) -> dict:
    key = jax.random.key(seed)
    k1, k2, k3, k4, k5, k6, k7 = jax.random.split(key, 7)
    discharge = jax.random.normal(k1, (E,), dtype=jnp.float32)
    overburden = jax.random.uniform(k2, (N,), dtype=jnp.float32)
    melt_rate = jax.random.uniform(k3, (N,), dtype=jnp.float32)
    status_at_link = jax.random.randint(k4, (E,), 0, 5)
    node_at_link_head = jax.random.randint(k5, (E,), 0, N)
    node_at_link_tail = jax.random.randint(k6, (E,), 0, N)
    links_at_node = jax.random.randint(k7, (N, L), 0, E)
    return {
        "discharge": discharge,
        "overburden": overburden,
        "melt_rate": melt_rate,
        "status_at_link": status_at_link,
        "node_at_link_head": node_at_link_head,
        "node_at_link_tail": node_at_link_tail,
        "links_at_node": links_at_node,
    }


def reference(discharge, overburden, melt_rate, status_at_link,
              node_at_link_head, node_at_link_tail, links_at_node):
    # Faithful translation of SteadyStateHydrology._discharge_residual
    # 1) zero out discharge on closed links (status == 4)
    d = jnp.where(status_at_link == 4, 0.0, discharge)
    # 2) flow direction from overburden pressure gradient across each link
    direction = jnp.where(
        overburden[node_at_link_head] > overburden[node_at_link_tail], 1.0, -1.0
    )
    # 3) gather signed link discharge at each node's incident links and sum
    net_flux = jnp.sum((direction * d)[links_at_node], axis=1)
    # 4) residual: net flux minus local melt input
    return net_flux - melt_rate

if __name__ == "__main__":
    import jax
    _d = setup_inputs()
    print(jax.jit(kernel)(*tuple(_d.values())))

</pallas_src>

<mosaic_0001>
#map = affine_map<(d0, d1) -> (0)>
module attributes {stable_mosaic.version = 14 : i64} {
  func.func @_body(%arg0: i32, %arg1: i32, %arg2: memref<200000xf32, #tpu.memory_space<hbm>>, %arg3: memref<200000xi32, #tpu.memory_space<hbm>>, %arg4: memref<200000xi32, #tpu.memory_space<hbm>>, %arg5: memref<200000xi32, #tpu.memory_space<hbm>>, %arg6: memref<100000xf32, #tpu.memory_space<hbm>>, %arg7: memref<400000xi32, #tpu.memory_space<hbm>>, %arg8: memref<100000xf32, #tpu.memory_space<hbm>>, %arg9: memref<100000xf32, #tpu.memory_space<hbm>>, %arg10: memref<200000xf32, #tpu.memory_space<hbm>>, %arg11: memref<32xi32, #tpu.memory_space<hbm>>, %arg12: memref<6272xf32, #tpu.memory_space<vmem>>, %arg13: memref<6272xi32, #tpu.memory_space<vmem>>, %arg14: memref<6272xi32, #tpu.memory_space<vmem>>, %arg15: memref<6272xi32, #tpu.memory_space<vmem>>, %arg16: memref<6272xf32, #tpu.memory_space<vmem>>, %arg17: memref<6272xf32, #tpu.memory_space<vmem>>, %arg18: memref<6272xf32, #tpu.memory_space<vmem>>, %arg19: memref<12544xi32, #tpu.memory_space<vmem>>, %arg20: memref<12544xf32, #tpu.memory_space<vmem>>, %arg21: memref<3136xf32, #tpu.memory_space<vmem>>, %arg22: memref<3136xf32, #tpu.memory_space<vmem>>, %arg23: memref<16xi32, #tpu.memory_space<vmem>>, %arg24: memref<!tpu.dma_semaphore, #tpu.memory_space<semaphore_mem>>, %arg25: memref<!tpu.dma_semaphore, #tpu.memory_space<semaphore_mem>>, %arg26: memref<!tpu.dma_semaphore, #tpu.memory_space<semaphore_mem>>, %arg27: memref<!tpu.dma_semaphore, #tpu.memory_space<semaphore_mem>>, %arg28: memref<!tpu.dma_semaphore, #tpu.memory_space<semaphore_mem>>, %arg29: memref<!tpu.dma_semaphore, #tpu.memory_space<semaphore_mem>>, %arg30: memref<!tpu.dma_semaphore, #tpu.memory_space<semaphore_mem>>) attributes {dimension_semantics = [#tpu.dimension_semantics<core_parallel>, #tpu.dimension_semantics<subcore_parallel>], iteration_bounds = array<i64: 2, 16>, scalar_prefetch = 0 : i64, scratch_operands = 19 : i64, tpu.core_type = #tpu.core_type<sc_vector_subcore>, window_params = [{transform_indices = #map}, {transform_indices = #map}, {transform_indices = #map}, {transform_indices = #map}, {transform_indices = #map}, {transform_indices = #map}, {transform_indices = #map}, {transform_indices = #map}, {transform_indices = #map}, {transform_indices = #map}]} {
    %mul3A = arith.constant 2 : i32
    %mul3A_0 = arith.muli %arg1, %mul3A : i32
    %add3A = arith.addi %mul3A_0, %arg0 : i32
    %broadcast_in_dim3A = arith.constant 0 : i32
    %broadcast_in_dim3A_1 = vector.broadcast %broadcast_in_dim3A : i32 to vector<16xi32>
    %swap3A = arith.constant 0 : index
    %swap3A_2 = tpu.vector_load %arg23[%swap3A] {strides = array<i32>} : memref<16xi32, #tpu.memory_space<vmem>>, vector<16xi32>,
    %swap3A_3 = vector.shape_cast %swap3A_2 : vector<16xi32> to vector<16xi32>
    %swap3A_4 = vector.shape_cast %broadcast_in_dim3A_1 : vector<16xi32> to vector<16xi32>
    tpu.vector_store %arg23[%swap3A], %swap3A_4 {strides = array<i32>} : memref<16xi32, #tpu.memory_space<vmem>>, vector<16xi32>,
    %mul3A_5 = arith.constant 16 : i32
    %mul3A_6 = arith.muli %arg0, %mul3A_5 : i32
    "tpu.region"() ({
      %run_scoped3A = tpu.sem_alloc : memref<!tpu.dma_semaphore, #tpu.memory_space<semaphore_mem>>
      %dma_start3A_363 = tpu.memref_slice %arg11[%mul3A_6] : memref<32xi32, #tpu.memory_space<hbm>> -> memref<16xi32, #tpu.memory_space<hbm>>
      %dma_start3A_364 = tpu.memref_slice %arg11[%mul3A_6] : memref<32xi32, #tpu.memory_space<hbm>> -> memref<16xi32, #tpu.memory_space<hbm>>
      tpu.enqueue_dma source(%arg23 : memref<16xi32, #tpu.memory_space<vmem>>) target(%dma_start3A_364 : memref<16xi32, #tpu.memory_space<hbm>>) target_semaphore(%run_scoped3A : memref<!tpu.dma_semaphore, #tpu.memory_space<semaphore_mem>>)
      %dma_wait3A_365 = tpu.memref_slice %arg11[%mul3A_6] : memref<32xi32, #tpu.memory_space<hbm>> -> memref<16xi32, #tpu.memory_space<hbm>>
      %dma_wait3A_366 = tpu.memref_slice %arg11[%mul3A_6] : memref<32xi32, #tpu.memory_space<hbm>> -> memref<16xi32, #tpu.memory_space<hbm>>
      tpu.wait_dma2 semaphore(%run_scoped3A : memref<!tpu.dma_semaphore, #tpu.memory_space<semaphore_mem>>) src(%arg23 : memref<16xi32, #tpu.memory_space<vmem>>) dst(%dma_wait3A_366 : memref<16xi32, #tpu.memory_space<hbm>>)
      tpu.yield
    }) : () -> ()
    %mul3A_7 = arith.constant 6272 : i32
    %mul3A_8 = arith.muli %add3A, %mul3A_7 : i32
    %min3A = arith.constant 193728 : i32
    %min3A_9 = arith.minsi %mul3A_8, %min3A : i32
    %multiple_of3A = tpu.assume_multiple %min3A_9, 8 : i32
    %dma_start3A = tpu.memref_slice %arg4[%multiple_of3A] : memref<200000xi32, #tpu.memory_space<hbm>> -> memref<6272xi32, #tpu.memory_space<hbm>>
    %dma_start3A_10 = tpu.memref_slice %arg4[%multiple_of3A] : memref<200000xi32, #tpu.memory_space<hbm>> -> memref<6272xi32, #tpu.memory_space<hbm>>
    tpu.enqueue_dma source(%dma_start3A_10 : memref<6272xi32, #tpu.memory_space<hbm>>) target(%arg14 : memref<6272xi32, #tpu.memory_space<vmem>>) target_semaphore(%arg24 : memref<!tpu.dma_semaphore, #tpu.memory_space<semaphore_mem>>)
    %dma_start3A_11 = tpu.memref_slice %arg5[%multiple_of3A] : memref<200000xi32, #tpu.memory_space<hbm>> -> memref<6272xi32, #tpu.memory_space<hbm>>
    %dma_start3A_12 = tpu.memref_slice %arg5[%multiple_of3A] : memref<200000xi32, #tpu.memory_space<hbm>> -> memref<6272xi32, #tpu.memory_space<hbm>>
    tpu.enqueue_dma source(%dma_start3A_12 : memref<6272xi32, #tpu.memory_space<hbm>>) target(%arg15 : memref<6272xi32, #tpu.memory_space<vmem>>) target_semaphore(%arg24 : memref<!tpu.dma_semaphore, #tpu.memory_space<semaphore_mem>>)
    %dma_start3A_13 = tpu.memref_slice %arg2[%multiple_of3A] : memref<200000xf32, #tpu.memory_space<hbm>> -> memref<6272xf32, #tpu.memory_space<hbm>>
    %dma_start3A_14 = tpu.memref_slice %arg2[%multiple_of3A] : memref<200000xf32, #tpu.memory_space<hbm>> -> memref<6272xf32, #tpu.memory_space<hbm>>
    tpu.enqueue_dma source(%dma_start3A_14 : memref<6272xf32, #tpu.memory_space<hbm>>) target(%arg12 : memref<6272xf32, #tpu.memory_space<vmem>>) target_semaphore(%arg24 : memref<!tpu.dma_semaphore, #tpu.memory_space<semaphore_mem>>)
    %dma_start3A_15 = tpu.memref_slice %arg3[%multiple_of3A] : memref<200000xi32, #tpu.memory_space<hbm>> -> memref<6272xi32, #tpu.memory_space<hbm>>
    %dma_start3A_16 = tpu.memref_slice %arg3[%multiple_of3A] : memref<200000xi32, #tpu.memory_space<hbm>> -> memref<6272xi32, #tpu.memory_space<hbm>>
    tpu.enqueue_dma source(%dma_start3A_16 : memref<6272xi32, #tpu.memory_space<hbm>>) target(%arg13 : memref<6272xi32, #tpu.memory_space<vmem>>) target_semaphore(%arg24 : memref<!tpu.dma_semaphore, #tpu.memory_space<semaphore_mem>>)
    %mul3A_17 = arith.constant 50000 : i32
    %mul3A_18 = arith.muli %arg0, %mul3A_17 : i32
    %mul3A_19 = arith.constant 3136 : i32
    %mul3A_20 = arith.muli %arg1, %mul3A_19 : i32
    %min3A_21 = arith.constant 46864 : i32
    %min3A_22 = arith.minsi %mul3A_20, %min3A_21 : i32
    %add3A_23 = arith.addi %mul3A_18, %min3A_22 : i32
    %multiple_of3A_24 = tpu.assume_multiple %add3A_23, 8 : i32
    %add3A_25 = arith.constant 0 : i32
    %add3A_26 = arith.addi %add3A_25, %multiple_of3A_24 : i32
    %dma_start3A_27 = arith.constant 0 : i32
    %dma_start3A_28 = tpu.memref_slice %arg19[%dma_start3A_27] : memref<12544xi32, #tpu.memory_space<vmem>> -> memref<3136xi32, #tpu.memory_space<vmem>>
    %dma_start3A_29 = tpu.memref_slice %arg7[%add3A_26] : memref<400000xi32, #tpu.memory_space<hbm>> -> memref<3136xi32, #tpu.memory_space<hbm>>
    %dma_start3A_30 = arith.constant 0 : i32
    %dma_start3A_31 = tpu.memref_slice %arg19[%dma_start3A_30] : memref<12544xi32, #tpu.memory_space<vmem>> -> memref<3136xi32, #tpu.memory_space<vmem>>
    %dma_start3A_32 = tpu.memref_slice %arg7[%add3A_26] : memref<400000xi32, #tpu.memory_space<hbm>> -> memref<3136xi32, #tpu.memory_space<hbm>>
    tpu.enqueue_dma source(%dma_start3A_32 : memref<3136xi32, #tpu.memory_space<hbm>>) target(%dma_start3A_31 : memref<3136xi32, #tpu.memory_space<vmem>>) target_semaphore(%arg25 : memref<!tpu.dma_semaphore, #tpu.memory_space<semaphore_mem>>)
    %add3A_33 = arith.constant 100000 : i32
    %add3A_34 = arith.addi %add3A_33, %multiple_of3A_24 : i32
    %dma_start3A_35 = arith.constant 3136 : i32
    %dma_start3A_36 = tpu.memref_slice %arg19[%dma_start3A_35] : memref<12544xi32, #tpu.memory_space<vmem>> -> memref<3136xi32, #tpu.memory_space<vmem>>
    %dma_start3A_37 = tpu.memref_slice %arg7[%add3A_34] : memref<400000xi32, #tpu.memory_space<hbm>> -> memref<3136xi32, #tpu.memory_space<hbm>>
    %dma_start3A_38 = arith.constant 3136 : i32
    %dma_start3A_39 = tpu.memref_slice %arg19[%dma_start3A_38] : memref<12544xi32, #tpu.memory_space<vmem>> -> memref<3136xi32, #tpu.memory_space<vmem>>
    %dma_start3A_40 = tpu.memref_slice %arg7[%add3A_34] : memref<400000xi32, #tpu.memory_space<hbm>> -> memref<3136xi32, #tpu.memory_space<hbm>>
    tpu.enqueue_dma source(%dma_start3A_40 : memref<3136xi32, #tpu.memory_space<hbm>>) target(%dma_start3A_39 : memref<3136xi32, #tpu.memory_space<vmem>>) target_semaphore(%arg25 : memref<!tpu.dma_semaphore, #tpu.memory_space<semaphore_mem>>)
    %add3A_41 = arith.constant 200000 : i32
    %add3A_42 = arith.addi %add3A_41, %multiple_of3A_24 : i32
    %dma_start3A_43 = arith.constant 6272 : i32
    %dma_start3A_44 = tpu.memref_slice %arg19[%dma_start3A_43] : memref<12544xi32, #tpu.memory_space<vmem>> -> memref<3136xi32, #tpu.memory_space<vmem>>
    %dma_start3A_45 = tpu.memref_slice %arg7[%add3A_42] : memref<400000xi32, #tpu.memory_space<hbm>> -> memref<3136xi32, #tpu.memory_space<hbm>>
    %dma_start3A_46 = arith.constant 6272 : i32
    %dma_start3A_47 = tpu.memref_slice %arg19[%dma_start3A_46] : memref<12544xi32, #tpu.memory_space<vmem>> -> memref<3136xi32, #tpu.memory_space<vmem>>
    %dma_start3A_48 = tpu.memref_slice %arg7[%add3A_42] : memref<400000xi32, #tpu.memory_space<hbm>> -> memref<3136xi32, #tpu.memory_space<hbm>>
    tpu.enqueue_dma source(%dma_start3A_48 : memref<3136xi32, #tpu.memory_space<hbm>>) target(%dma_start3A_47 : memref<3136xi32, #tpu.memory_space<vmem>>) target_semaphore(%arg25 : memref<!tpu.dma_semaphore, #tpu.memory_space<semaphore_mem>>)
    %add3A_49 = arith.constant 300000 : i32
    %add3A_50 = arith.addi %add3A_49, %multiple_of3A_24 : i32
    %dma_start3A_51 = arith.constant 9408 : i32
    %dma_start3A_52 = tpu.memref_slice %arg19[%dma_start3A_51] : memref<12544xi32, #tpu.memory_space<vmem>> -> memref<3136xi32, #tpu.memory_space<vmem>>
    %dma_start3A_53 = tpu.memref_slice %arg7[%add3A_50] : memref<400000xi32, #tpu.memory_space<hbm>> -> memref<3136xi32, #tpu.memory_space<hbm>>
    %dma_start3A_54 = arith.constant 9408 : i32
    %dma_start3A_55 = tpu.memref_slice %arg19[%dma_start3A_54] : memref<12544xi32, #tpu.memory_space<vmem>> -> memref<3136xi32, #tpu.memory_space<vmem>>
    %dma_start3A_56 = tpu.memref_slice %arg7[%add3A_50] : memref<400000xi32, #tpu.memory_space<hbm>> -> memref<3136xi32, #tpu.memory_space<hbm>>
    tpu.enqueue_dma source(%dma_start3A_56 : memref<3136xi32, #tpu.memory_space<hbm>>) target(%dma_start3A_55 : memref<3136xi32, #tpu.memory_space<vmem>>) target_semaphore(%arg25 : memref<!tpu.dma_semaphore, #tpu.memory_space<semaphore_mem>>)
    %dma_start3A_57 = tpu.memref_slice %arg8[%multiple_of3A_24] : memref<100000xf32, #tpu.memory_space<hbm>> -> memref<3136xf32, #tpu.memory_space<hbm>>
    %dma_start3A_58 = tpu.memref_slice %arg8[%multiple_of3A_24] : memref<100000xf32, #tpu.memory_space<hbm>> -> memref<3136xf32, #tpu.memory_space<hbm>>
    tpu.enqueue_dma source(%dma_start3A_58 : memref<3136xf32, #tpu.memory_space<hbm>>) target(%arg21 : memref<3136xf32, #tpu.memory_space<vmem>>) target_semaphore(%arg25 : memref<!tpu.dma_semaphore, #tpu.memory_space<semaphore_mem>>)
    %dma_wait3A = tpu.memref_slice %arg4[%multiple_of3A] : memref<200000xi32, #tpu.memory_space<hbm>> -> memref<6272xi32, #tpu.memory_space<hbm>>
    %dma_wait3A_59 = tpu.memref_slice %arg4[%multiple_of3A] : memref<200000xi32, #tpu.memory_space<hbm>> -> memref<6272xi32, #tpu.memory_space<hbm>>
    tpu.wait_dma2 semaphore(%arg24 : memref<!tpu.dma_semaphore, #tpu.memory_space<semaphore_mem>>) src(%dma_wait3A_59 : memref<6272xi32, #tpu.memory_space<hbm>>) dst(%arg14 : memref<6272xi32, #tpu.memory_space<vmem>>)
    %dma_wait3A_60 = tpu.memref_slice %arg5[%multiple_of3A] : memref<200000xi32, #tpu.memory_space<hbm>> -> memref<6272xi32, #tpu.memory_space<hbm>>
    %dma_wait3A_61 = tpu.memref_slice %arg5[%multiple_of3A] : memref<200000xi32, #tpu.memory_space<hbm>> -> memref<6272xi32, #tpu.memory_space<hbm>>
    tpu.wait_dma2 semaphore(%arg24 : memref<!tpu.dma_semaphore, #tpu.memory_space<semaphore_mem>>) src(%dma_wait3A_61 : memref<6272xi32, #tpu.memory_space<hbm>>) dst(%arg15 : memref<6272xi32, #tpu.memory_space<vmem>>)
    %dma_start3A_62 = arith.constant 0 : i32
    %dma_start3A_63 = tpu.memref_slice %arg16[%dma_start3A_62] : memref<6272xf32, #tpu.memory_space<vmem>> -> memref<1568xf32, #tpu.memory_space<vmem>>
    %dma_start3A_64 = arith.constant 0 : i32
    %dma_start3A_65 = tpu.memref_slice %arg14[%dma_start3A_64] : memref<6272xi32, #tpu.memory_space<vmem>> -> memref<1568xi32, #tpu.memory_space<vmem>>
    %dma_start3A_66 = arith.constant 0 : i32
    %dma_start3A_67 = tpu.memref_slice %arg6[%dma_start3A_66] : memref<100000xf32, #tpu.memory_space<hbm>> -> memref<100000xf32, #tpu.memory_space<hbm>>
    tpu.enqueue_indirect_dma source(%dma_start3A_67 : memref<100000xf32, #tpu.memory_space<hbm>>) target(%dma_start3A_63 : memref<1568xf32, #tpu.memory_space<vmem>>) offsets(%dma_start3A_65 : memref<1568xi32, #tpu.memory_space<vmem>>) semaphore(%arg26 : memref<!tpu.dma_semaphore, #tpu.memory_space<semaphore_mem>>)
    %dma_start3A_68 = arith.constant 0 : i32
    %dma_start3A_69 = tpu.memref_slice %arg17[%dma_start3A_68] : memref<6272xf32, #tpu.memory_space<vmem>> -> memref<1568xf32, #tpu.memory_space<vmem>>
    %dma_start3A_70 = arith.constant 0 : i32
    %dma_start3A_71 = tpu.memref_slice %arg15[%dma_start3A_70] : memref<6272xi32, #tpu.memory_space<vmem>> -> memref<1568xi32, #tpu.memory_space<vmem>>
    %dma_start3A_72 = arith.constant 0 : i32
    %dma_start3A_73 = tpu.memref_slice %arg6[%dma_start3A_72] : memref<100000xf32, #tpu.memory_space<hbm>> -> memref<100000xf32, #tpu.memory_space<hbm>>
    tpu.enqueue_indirect_dma source(%dma_start3A_73 : memref<100000xf32, #tpu.memory_space<hbm>>) target(%dma_start3A_69 : memref<1568xf32, #tpu.memory_space<vmem>>) offsets(%dma_start3A_71 : memref<1568xi32, #tpu.memory_space<vmem>>) semaphore(%arg26 : memref<!tpu.dma_semaphore, #tpu.memory_space<semaphore_mem>>)
    %dma_start3A_74 = arith.constant 1568 : i32
    %dma_start3A_75 = tpu.memref_slice %arg16[%dma_start3A_74] : memref<6272xf32, #tpu.memory_space<vmem>> -> memref<1568xf32, #tpu.memory_space<vmem>>
    %dma_start3A_76 = arith.constant 1568 : i32
    %dma_start3A_77 = tpu.memref_slice %arg14[%dma_start3A_76] : memref<6272xi32, #tpu.memory_space<vmem>> -> memref<1568xi32, #tpu.memory_space<vmem>>
    %dma_start3A_78 = arith.constant 0 : i32
    %dma_start3A_79 = tpu.memref_slice %arg6[%dma_start3A_78] : memref<100000xf32, #tpu.memory_space<hbm>> -> memref<100000xf32, #tpu.memory_space<hbm>>
    tpu.enqueue_indirect_dma source(%dma_start3A_79 : memref<100000xf32, #tpu.memory_space<hbm>>) target(%dma_start3A_75 : memref<1568xf32, #tpu.memory_space<vmem>>) offsets(%dma_start3A_77 : memref<1568xi32, #tpu.memory_space<vmem>>) semaphore(%arg27 : memref<!tpu.dma_semaphore, #tpu.memory_space<semaphore_mem>>)
    %dma_start3A_80 = arith.constant 1568 : i32
    %dma_start3A_81 = tpu.memref_slice %arg17[%dma_start3A_80] : memref<6272xf32, #tpu.memory_space<vmem>> -> memref<1568xf32, #tpu.memory_space<vmem>>
    %dma_start3A_82 = arith.constant 1568 : i32
    %dma_start3A_83 = tpu.memref_slice %arg15[%dma_start3A_82] : memref<6272xi32, #tpu.memory_space<vmem>> -> memref<1568xi32, #tpu.memory_space<vmem>>
    %dma_start3A_84 = arith.constant 0 : i32
    %dma_start3A_85 = tpu.memref_slice %arg6[%dma_start3A_84] : memref<100000xf32, #tpu.memory_space<hbm>> -> memref<100000xf32, #tpu.memory_space<hbm>>
    tpu.enqueue_indirect_dma source(%dma_start3A_85 : memref<100000xf32, #tpu.memory_space<hbm>>) target(%dma_start3A_81 : memref<1568xf32, #tpu.memory_space<vmem>>) offsets(%dma_start3A_83 : memref<1568xi32, #tpu.memory_space<vmem>>) semaphore(%arg27 : memref<!tpu.dma_semaphore, #tpu.memory_space<semaphore_mem>>)
    %dma_start3A_86 = arith.constant 3136 : i32
    %dma_start3A_87 = tpu.memref_slice %arg16[%dma_start3A_86] : memref<6272xf32, #tpu.memory_space<vmem>> -> memref<1568xf32, #tpu.memory_space<vmem>>
    %dma_start3A_88 = arith.constant 3136 : i32
    %dma_start3A_89 = tpu.memref_slice %arg14[%dma_start3A_88] : memref<6272xi32, #tpu.memory_space<vmem>> -> memref<1568xi32, #tpu.memory_space<vmem>>
    %dma_start3A_90 = arith.constant 0 : i32
    %dma_start3A_91 = tpu.memref_slice %arg6[%dma_start3A_90] : memref<100000xf32, #tpu.memory_space<hbm>> -> memref<100000xf32, #tpu.memory_space<hbm>>
    tpu.enqueue_indirect_dma source(%dma_start3A_91 : memref<100000xf32, #tpu.memory_space<hbm>>) target(%dma_start3A_87 : memref<1568xf32, #tpu.memory_space<vmem>>) offsets(%dma_start3A_89 : memref<1568xi32, #tpu.memory_space<vmem>>) semaphore(%arg28 : memref<!tpu.dma_semaphore, #tpu.memory_space<semaphore_mem>>)
    %dma_start3A_92 = arith.constant 3136 : i32
    %dma_start3A_93 = tpu.memref_slice %arg17[%dma_start3A_92] : memref<6272xf32, #tpu.memory_space<vmem>> -> memref<1568xf32, #tpu.memory_space<vmem>>
    %dma_start3A_94 = arith.constant 3136 : i32
    %dma_start3A_95 = tpu.memref_slice %arg15[%dma_start3A_94] : memref<6272xi32, #tpu.memory_space<vmem>> -> memref<1568xi32, #tpu.memory_space<vmem>>
    %dma_start3A_96 = arith.constant 0 : i32
    %dma_start3A_97 = tpu.memref_slice %arg6[%dma_start3A_96] : memref<100000xf32, #tpu.memory_space<hbm>> -> memref<100000xf32, #tpu.memory_space<hbm>>
    tpu.enqueue_indirect_dma source(%dma_start3A_97 : memref<100000xf32, #tpu.memory_space<hbm>>) target(%dma_start3A_93 : memref<1568xf32, #tpu.memory_space<vmem>>) offsets(%dma_start3A_95 : memref<1568xi32, #tpu.memory_space<vmem>>) semaphore(%arg28 : memref<!tpu.dma_semaphore, #tpu.memory_space<semaphore_mem>>)
    %dma_start3A_98 = arith.constant 4704 : i32
    %dma_start3A_99 = tpu.memref_slice %arg16[%dma_start3A_98] : memref<6272xf32, #tpu.memory_space<vmem>> -> memref<1568xf32, #tpu.memory_space<vmem>>
    %dma_start3A_100 = arith.constant 4704 : i32
    %dma_start3A_101 = tpu.memref_slice %arg14[%dma_start3A_100] : memref<6272xi32, #tpu.memory_space<vmem>> -> memref<1568xi32, #tpu.memory_space<vmem>>
    %dma_start3A_102 = arith.constant 0 : i32
    %dma_start3A_103 = tpu.memref_slice %arg6[%dma_start3A_102] : memref<100000xf32, #tpu.memory_space<hbm>> -> memref<100000xf32, #tpu.memory_space<hbm>>
    tpu.enqueue_indirect_dma source(%dma_start3A_103 : memref<100000xf32, #tpu.memory_space<hbm>>) target(%dma_start3A_99 : memref<1568xf32, #tpu.memory_space<vmem>>) offsets(%dma_start3A_101 : memref<1568xi32, #tpu.memory_space<vmem>>) semaphore(%arg29 : memref<!tpu.dma_semaphore, #tpu.memory_space<semaphore_mem>>)
    %dma_start3A_104 = arith.constant 4704 : i32
    %dma_start3A_105 = tpu.memref_slice %arg17[%dma_start3A_104] : memref<6272xf32, #tpu.memory_space<vmem>> -> memref<1568xf32, #tpu.memory_space<vmem>>
    %dma_start3A_106 = arith.constant 4704 : i32
    %dma_start3A_107 = tpu.memref_slice %arg15[%dma_start3A_106] : memref<6272xi32, #tpu.memory_space<vmem>> -> memref<1568xi32, #tpu.memory_space<vmem>>
    %dma_start3A_108 = arith.constant 0 : i32
    %dma_start3A_109 = tpu.memref_slice %arg6[%dma_start3A_108] : memref<100000xf32, #tpu.memory_space<hbm>> -> memref<100000xf32, #tpu.memory_space<hbm>>
    tpu.enqueue_indirect_dma source(%dma_start3A_109 : memref<100000xf32, #tpu.memory_space<hbm>>) target(%dma_start3A_105 : memref<1568xf32, #tpu.memory_space<vmem>>) offsets(%dma_start3A_107 : memref<1568xi32, #tpu.memory_space<vmem>>) semaphore(%arg29 : memref<!tpu.dma_semaphore, #tpu.memory_space<semaphore_mem>>)
    %dma_wait3A_110 = tpu.memref_slice %arg2[%multiple_of3A] : memref<200000xf32, #tpu.memory_space<hbm>> -> memref<6272xf32, #tpu.memory_space<hbm>>
    %dma_wait3A_111 = tpu.memref_slice %arg2[%multiple_of3A] : memref<200000xf32, #tpu.memory_space<hbm>> -> memref<6272xf32, #tpu.memory_space<hbm>>
    tpu.wait_dma2 semaphore(%arg24 : memref<!tpu.dma_semaphore, #tpu.memory_space<semaphore_mem>>) src(%dma_wait3A_111 : memref<6272xf32, #tpu.memory_space<hbm>>) dst(%arg12 : memref<6272xf32, #tpu.memory_space<vmem>>)
    %dma_wait3A_112 = tpu.memref_slice %arg3[%multiple_of3A] : memref<200000xi32, #tpu.memory_space<hbm>> -> memref<6272xi32, #tpu.memory_space<hbm>>
    %dma_wait3A_113 = tpu.memref_slice %arg3[%multiple_of3A] : memref<200000xi32, #tpu.memory_space<hbm>> -> memref<6272xi32, #tpu.memory_space<hbm>>
    tpu.wait_dma2 semaphore(%arg24 : memref<!tpu.dma_semaphore, #tpu.memory_space<semaphore_mem>>) src(%dma_wait3A_113 : memref<6272xi32, #tpu.memory_space<hbm>>) dst(%arg13 : memref<6272xi32, #tpu.memory_space<vmem>>)
    %dma_wait3A_114 = arith.constant 0 : i32
    %dma_wait3A_115 = tpu.memref_slice %arg16[%dma_wait3A_114] : memref<6272xf32, #tpu.memory_space<vmem>> -> memref<1568xf32, #tpu.memory_space<vmem>>
    %dma_wait3A_116 = arith.constant 0 : i32
    %dma_wait3A_117 = tpu.memref_slice %arg14[%dma_wait3A_116] : memref<6272xi32, #tpu.memory_space<vmem>> -> memref<1568xi32, #tpu.memory_space<vmem>>
    %dma_wait3A_118 = arith.constant 0 : i32
    %dma_wait3A_119 = tpu.memref_slice %arg6[%dma_wait3A_118] : memref<100000xf32, #tpu.memory_space<hbm>> -> memref<100000xf32, #tpu.memory_space<hbm>>
    tpu.wait_indirect_dma semaphore(%arg26 : memref<!tpu.dma_semaphore, #tpu.memory_space<semaphore_mem>>) src(%dma_wait3A_119 : memref<100000xf32, #tpu.memory_space<hbm>>) dst(%dma_wait3A_115 : memref<1568xf32, #tpu.memory_space<vmem>>)
    %dma_wait3A_120 = arith.constant 0 : i32
    %dma_wait3A_121 = tpu.memref_slice %arg17[%dma_wait3A_120] : memref<6272xf32, #tpu.memory_space<vmem>> -> memref<1568xf32, #tpu.memory_space<vmem>>
    %dma_wait3A_122 = arith.constant 0 : i32
    %dma_wait3A_123 = tpu.memref_slice %arg15[%dma_wait3A_122] : memref<6272xi32, #tpu.memory_space<vmem>> -> memref<1568xi32, #tpu.memory_space<vmem>>
    %dma_wait3A_124 = arith.constant 0 : i32
    %dma_wait3A_125 = tpu.memref_slice %arg6[%dma_wait3A_124] : memref<100000xf32, #tpu.memory_space<hbm>> -> memref<100000xf32, #tpu.memory_space<hbm>>
    tpu.wait_indirect_dma semaphore(%arg26 : memref<!tpu.dma_semaphore, #tpu.memory_space<semaphore_mem>>) src(%dma_wait3A_125 : memref<100000xf32, #tpu.memory_space<hbm>>) dst(%dma_wait3A_121 : memref<1568xf32, #tpu.memory_space<vmem>>)
    %scan3A = arith.constant 0 : i32
    %scan3A_126 = arith.constant 0 : i32
    %scan3A_127 = arith.constant 98 : i32
    %scan3A_128 = arith.addi %scan3A_126, %scan3A_127 : i32
    %scan3A_129 = arith.constant 1 : i32
    scf.for %scan3A_363 = %scan3A_126 to %scan3A_128 step %scan3A_129  : i32 {
      %mul3A_364 = arith.constant 16 : i32
      %mul3A_365 = arith.muli %scan3A_363, %mul3A_364 : i32
      %add3A_366 = arith.constant 0 : i32
      %add3A_367 = arith.addi %add3A_366, %mul3A_365 : i32
      %get3A = arith.index_cast %add3A_367 : i32 to index
      %get3A_368 = tpu.vector_load %arg13[%get3A] {strides = array<i32>} : memref<6272xi32, #tpu.memory_space<vmem>>, vector<16xi32>,
      %get3A_369 = vector.shape_cast %get3A_368 : vector<16xi32> to vector<16xi32>
      %eq3A = arith.constant 4 : i32
      %eq3A_370 = vector.broadcast %eq3A : i32 to vector<16xi32>
      %eq3A_371 = arith.cmpi eq, %get3A_369, %eq3A_370 : vector<16xi32>
      %get3A_372 = arith.index_cast %add3A_367 : i32 to index
      %get3A_373 = tpu.vector_load %arg12[%get3A_372] {strides = array<i32>} : memref<6272xf32, #tpu.memory_space<vmem>>, vector<16xf32>,
      %get3A_374 = vector.shape_cast %get3A_373 : vector<16xf32> to vector<16xf32>
      %jit3A = arith.constant 0.000000e+00 : f32
      %broadcast_in_dim3A_375 = vector.broadcast %jit3A : f32 to vector<16xf32>
      %select_n3A = arith.select %eq3A_371, %broadcast_in_dim3A_375, %get3A_374 : vector<16xi1>, vector<16xf32>
      %get3A_376 = arith.index_cast %add3A_367 : i32 to index
      %get3A_377 = tpu.vector_load %arg16[%get3A_376] {strides = array<i32>} : memref<6272xf32, #tpu.memory_space<vmem>>, vector<16xf32>,
      %get3A_378 = vector.shape_cast %get3A_377 : vector<16xf32> to vector<16xf32>
      %get3A_379 = arith.index_cast %add3A_367 : i32 to index
      %get3A_380 = tpu.vector_load %arg17[%get3A_379] {strides = array<i32>} : memref<6272xf32, #tpu.memory_space<vmem>>, vector<16xf32>,
      %get3A_381 = vector.shape_cast %get3A_380 : vector<16xf32> to vector<16xf32>
      %gt3A = arith.cmpf ogt, %get3A_378, %get3A_381 : vector<16xf32>
      %neg3A = arith.constant 0.000000e+00 : f32
      %neg3A_382 = vector.broadcast %neg3A : f32 to vector<16xf32>
      %neg3A_383 = arith.subf %neg3A_382, %select_n3A : vector<16xf32>
      %select_n3A_384 = arith.select %gt3A, %select_n3A, %neg3A_383 : vector<16xi1>, vector<16xf32>
      %swap3A_385 = arith.index_cast %add3A_367 : i32 to index
      %swap3A_386 = tpu.vector_load %arg18[%swap3A_385] {strides = array<i32>} : memref<6272xf32, #tpu.memory_space<vmem>>, vector<16xf32>,
      %swap3A_387 = vector.shape_cast %swap3A_386 : vector<16xf32> to vector<16xf32>
      %swap3A_388 = vector.shape_cast %select_n3A_384 : vector<16xf32> to vector<16xf32>
      tpu.vector_store %arg18[%swap3A_385], %swap3A_388 {strides = array<i32>} : memref<6272xf32, #tpu.memory_space<vmem>>, vector<16xf32>,
    }
    %scan3A_130 = arith.constant 98 : i32
    %add3A_131 = arith.constant 0 : i32
    %add3A_132 = arith.addi %multiple_of3A, %add3A_131 : i32
    %dma_start3A_133 = arith.constant 0 : i32
    %dma_start3A_134 = tpu.memref_slice %arg18[%dma_start3A_133] : memref<6272xf32, #tpu.memory_space<vmem>> -> memref<1568xf32, #tpu.memory_space<vmem>>
    %dma_start3A_135 = tpu.memref_slice %arg10[%add3A_132] : memref<200000xf32, #tpu.memory_space<hbm>> -> memref<1568xf32, #tpu.memory_space<hbm>>
    %dma_start3A_136 = tpu.memref_slice %arg10[%add3A_132] : memref<200000xf32, #tpu.memory_space<hbm>> -> memref<1568xf32, #tpu.memory_space<hbm>>
    %dma_start3A_137 = arith.constant 0 : i32
    %dma_start3A_138 = tpu.memref_slice %arg18[%dma_start3A_137] : memref<6272xf32, #tpu.memory_space<vmem>> -> memref<1568xf32, #tpu.memory_space<vmem>>
    tpu.enqueue_dma source(%dma_start3A_138 : memref<1568xf32, #tpu.memory_space<vmem>>) target(%dma_start3A_136 : memref<1568xf32, #tpu.memory_space<hbm>>) target_semaphore(%arg30 : memref<!tpu.dma_semaphore, #tpu.memory_space<semaphore_mem>>)
    %dma_wait3A_139 = arith.constant 1568 : i32
    %dma_wait3A_140 = tpu.memref_slice %arg16[%dma_wait3A_139] : memref<6272xf32, #tpu.memory_space<vmem>> -> memref<1568xf32, #tpu.memory_space<vmem>>
    %dma_wait3A_141 = arith.constant 1568 : i32
    %dma_wait3A_142 = tpu.memref_slice %arg14[%dma_wait3A_141] : memref<6272xi32, #tpu.memory_space<vmem>> -> memref<1568xi32, #tpu.memory_space<vmem>>
    %dma_wait3A_143 = arith.constant 0 : i32
    %dma_wait3A_144 = tpu.memref_slice %arg6[%dma_wait3A_143] : memref<100000xf32, #tpu.memory_space<hbm>> -> memref<100000xf32, #tpu.memory_space<hbm>>
    tpu.wait_indirect_dma semaphore(%arg27 : memref<!tpu.dma_semaphore, #tpu.memory_space<semaphore_mem>>) src(%dma_wait3A_144 : memref<100000xf32, #tpu.memory_space<hbm>>) dst(%dma_wait3A_140 : memref<1568xf32, #tpu.memory_space<vmem>>)
    %dma_wait3A_145 = arith.constant 1568 : i32
    %dma_wait3A_146 = tpu.memref_slice %arg17[%dma_wait3A_145] : memref<6272xf32, #tpu.memory_space<vmem>> -> memref<1568xf32, #tpu.memory_space<vmem>>
    %dma_wait3A_147 = arith.constant 1568 : i32
    %dma_wait3A_148 = tpu.memref_slice %arg15[%dma_wait3A_147] : memref<6272xi32, #tpu.memory_space<vmem>> -> memref<1568xi32, #tpu.memory_space<vmem>>
    %dma_wait3A_149 = arith.constant 0 : i32
    %dma_wait3A_150 = tpu.memref_slice %arg6[%dma_wait3A_149] : memref<100000xf32, #tpu.memory_space<hbm>> -> memref<100000xf32, #tpu.memory_space<hbm>>
    tpu.wait_indirect_dma semaphore(%arg27 : memref<!tpu.dma_semaphore, #tpu.memory_space<semaphore_mem>>) src(%dma_wait3A_150 : memref<100000xf32, #tpu.memory_space<hbm>>) dst(%dma_wait3A_146 : memref<1568xf32, #tpu.memory_space<vmem>>)
    %scan3A_151 = arith.constant 0 : i32
    %scan3A_152 = arith.constant 0 : i32
    %scan3A_153 = arith.constant 98 : i32
    %scan3A_154 = arith.addi %scan3A_152, %scan3A_153 : i32
    %scan3A_155 = arith.constant 1 : i32
    scf.for %scan3A_363 = %scan3A_152 to %scan3A_154 step %scan3A_155  : i32 {
      %mul3A_364 = arith.constant 16 : i32
      %mul3A_365 = arith.muli %scan3A_363, %mul3A_364 : i32
      %add3A_366 = arith.constant 1568 : i32
      %add3A_367 = arith.addi %add3A_366, %mul3A_365 : i32
      %get3A = arith.index_cast %add3A_367 : i32 to index
      %get3A_368 = tpu.vector_load %arg13[%get3A] {strides = array<i32>} : memref<6272xi32, #tpu.memory_space<vmem>>, vector<16xi32>,
      %get3A_369 = vector.shape_cast %get3A_368 : vector<16xi32> to vector<16xi32>
      %eq3A = arith.constant 4 : i32
      %eq3A_370 = vector.broadcast %eq3A : i32 to vector<16xi32>
      %eq3A_371 = arith.cmpi eq, %get3A_369, %eq3A_370 : vector<16xi32>
      %get3A_372 = arith.index_cast %add3A_367 : i32 to index
      %get3A_373 = tpu.vector_load %arg12[%get3A_372] {strides = array<i32>} : memref<6272xf32, #tpu.memory_space<vmem>>, vector<16xf32>,
      %get3A_374 = vector.shape_cast %get3A_373 : vector<16xf32> to vector<16xf32>
      %jit3A = arith.constant 0.000000e+00 : f32
      %broadcast_in_dim3A_375 = vector.broadcast %jit3A : f32 to vector<16xf32>
      %select_n3A = arith.select %eq3A_371, %broadcast_in_dim3A_375, %get3A_374 : vector<16xi1>, vector<16xf32>
      %get3A_376 = arith.index_cast %add3A_367 : i32 to index
      %get3A_377 = tpu.vector_load %arg16[%get3A_376] {strides = array<i32>} : memref<6272xf32, #tpu.memory_space<vmem>>, vector<16xf32>,
      %get3A_378 = vector.shape_cast %get3A_377 : vector<16xf32> to vector<16xf32>
      %get3A_379 = arith.index_cast %add3A_367 : i32 to index
      %get3A_380 = tpu.vector_load %arg17[%get3A_379] {strides = array<i32>} : memref<6272xf32, #tpu.memory_space<vmem>>, vector<16xf32>,
      %get3A_381 = vector.shape_cast %get3A_380 : vector<16xf32> to vector<16xf32>
      %gt3A = arith.cmpf ogt, %get3A_378, %get3A_381 : vector<16xf32>
      %neg3A = arith.constant 0.000000e+00 : f32
      %neg3A_382 = vector.broadcast %neg3A : f32 to vector<16xf32>
      %neg3A_383 = arith.subf %neg3A_382, %select_n3A : vector<16xf32>
      %select_n3A_384 = arith.select %gt3A, %select_n3A, %neg3A_383 : vector<16xi1>, vector<16xf32>
      %swap3A_385 = arith.index_cast %add3A_367 : i32 to index
      %swap3A_386 = tpu.vector_load %arg18[%swap3A_385] {strides = array<i32>} : memref<6272xf32, #tpu.memory_space<vmem>>, vector<16xf32>,
      %swap3A_387 = vector.shape_cast %swap3A_386 : vector<16xf32> to vector<16xf32>
      %swap3A_388 = vector.shape_cast %select_n3A_384 : vector<16xf32> to vector<16xf32>
      tpu.vector_store %arg18[%swap3A_385], %swap3A_388 {strides = array<i32>} : memref<6272xf32, #tpu.memory_space<vmem>>, vector<16xf32>,
    }
    %scan3A_156 = arith.constant 98 : i32
    %add3A_157 = arith.constant 1568 : i32
    %add3A_158 = arith.addi %multiple_of3A, %add3A_157 : i32
    %dma_start3A_159 = arith.constant 1568 : i32
    %dma_start3A_160 = tpu.memref_slice %arg18[%dma_start3A_159] : memref<6272xf32, #tpu.memory_space<vmem>> -> memref<1568xf32, #tpu.memory_space<vmem>>
    %dma_start3A_161 = tpu.memref_slice %arg10[%add3A_158] : memref<200000xf32, #tpu.memory_space<hbm>> -> memref<1568xf32, #tpu.memory_space<hbm>>
    %dma_start3A_162 = tpu.memref_slice %arg10[%add3A_158] : memref<200000xf32, #tpu.memory_space<hbm>> -> memref<1568xf32, #tpu.memory_space<hbm>>
    %dma_start3A_163 = arith.constant 1568 : i32
    %dma_start3A_164 = tpu.memref_slice %arg18[%dma_start3A_163] : memref<6272xf32, #tpu.memory_space<vmem>> -> memref<1568xf32, #tpu.memory_space<vmem>>
    tpu.enqueue_dma source(%dma_start3A_164 : memref<1568xf32, #tpu.memory_space<vmem>>) target(%dma_start3A_162 : memref<1568xf32, #tpu.memory_space<hbm>>) target_semaphore(%arg30 : memref<!tpu.dma_semaphore, #tpu.memory_space<semaphore_mem>>)
    %dma_wait3A_165 = arith.constant 3136 : i32
    %dma_wait3A_166 = tpu.memref_slice %arg16[%dma_wait3A_165] : memref<6272xf32, #tpu.memory_space<vmem>> -> memref<1568xf32, #tpu.memory_space<vmem>>
    %dma_wait3A_167 = arith.constant 3136 : i32
    %dma_wait3A_168 = tpu.memref_slice %arg14[%dma_wait3A_167] : memref<6272xi32, #tpu.memory_space<vmem>> -> memref<1568xi32, #tpu.memory_space<vmem>>
    %dma_wait3A_169 = arith.constant 0 : i32
    %dma_wait3A_170 = tpu.memref_slice %arg6[%dma_wait3A_169] : memref<100000xf32, #tpu.memory_space<hbm>> -> memref<100000xf32, #tpu.memory_space<hbm>>
    tpu.wait_indirect_dma semaphore(%arg28 : memref<!tpu.dma_semaphore, #tpu.memory_space<semaphore_mem>>) src(%dma_wait3A_170 : memref<100000xf32, #tpu.memory_space<hbm>>) dst(%dma_wait3A_166 : memref<1568xf32, #tpu.memory_space<vmem>>)
    %dma_wait3A_171 = arith.constant 3136 : i32
    %dma_wait3A_172 = tpu.memref_slice %arg17[%dma_wait3A_171] : memref<6272xf32, #tpu.memory_space<vmem>> -> memref<1568xf32, #tpu.memory_space<vmem>>
    %dma_wait3A_173 = arith.constant 3136 : i32
    %dma_wait3A_174 = tpu.memref_slice %arg15[%dma_wait3A_173] : memref<6272xi32, #tpu.memory_space<vmem>> -> memref<1568xi32, #tpu.memory_space<vmem>>
    %dma_wait3A_175 = arith.constant 0 : i32
    %dma_wait3A_176 = tpu.memref_slice %arg6[%dma_wait3A_175] : memref<100000xf32, #tpu.memory_space<hbm>> -> memref<100000xf32, #tpu.memory_space<hbm>>
    tpu.wait_indirect_dma semaphore(%arg28 : memref<!tpu.dma_semaphore, #tpu.memory_space<semaphore_mem>>) src(%dma_wait3A_176 : memref<100000xf32, #tpu.memory_space<hbm>>) dst(%dma_wait3A_172 : memref<1568xf32, #tpu.memory_space<vmem>>)
    %scan3A_177 = arith.constant 0 : i32
    %scan3A_178 = arith.constant 0 : i32
    %scan3A_179 = arith.constant 98 : i32
    %scan3A_180 = arith.addi %scan3A_178, %scan3A_179 : i32
    %scan3A_181 = arith.constant 1 : i32
    scf.for %scan3A_363 = %scan3A_178 to %scan3A_180 step %scan3A_181  : i32 {
      %mul3A_364 = arith.constant 16 : i32
      %mul3A_365 = arith.muli %scan3A_363, %mul3A_364 : i32
      %add3A_366 = arith.constant 3136 : i32
      %add3A_367 = arith.addi %add3A_366, %mul3A_365 : i32
      %get3A = arith.index_cast %add3A_367 : i32 to index
      %get3A_368 = tpu.vector_load %arg13[%get3A] {strides = array<i32>} : memref<6272xi32, #tpu.memory_space<vmem>>, vector<16xi32>,
      %get3A_369 = vector.shape_cast %get3A_368 : vector<16xi32> to vector<16xi32>
      %eq3A = arith.constant 4 : i32
      %eq3A_370 = vector.broadcast %eq3A : i32 to vector<16xi32>
      %eq3A_371 = arith.cmpi eq, %get3A_369, %eq3A_370 : vector<16xi32>
      %get3A_372 = arith.index_cast %add3A_367 : i32 to index
      %get3A_373 = tpu.vector_load %arg12[%get3A_372] {strides = array<i32>} : memref<6272xf32, #tpu.memory_space<vmem>>, vector<16xf32>,
      %get3A_374 = vector.shape_cast %get3A_373 : vector<16xf32> to vector<16xf32>
      %jit3A = arith.constant 0.000000e+00 : f32
      %broadcast_in_dim3A_375 = vector.broadcast %jit3A : f32 to vector<16xf32>
      %select_n3A = arith.select %eq3A_371, %broadcast_in_dim3A_375, %get3A_374 : vector<16xi1>, vector<16xf32>
      %get3A_376 = arith.index_cast %add3A_367 : i32 to index
      %get3A_377 = tpu.vector_load %arg16[%get3A_376] {strides = array<i32>} : memref<6272xf32, #tpu.memory_space<vmem>>, vector<16xf32>,
      %get3A_378 = vector.shape_cast %get3A_377 : vector<16xf32> to vector<16xf32>
      %get3A_379 = arith.index_cast %add3A_367 : i32 to index
      %get3A_380 = tpu.vector_load %arg17[%get3A_379] {strides = array<i32>} : memref<6272xf32, #tpu.memory_space<vmem>>, vector<16xf32>,
      %get3A_381 = vector.shape_cast %get3A_380 : vector<16xf32> to vector<16xf32>
      %gt3A = arith.cmpf ogt, %get3A_378, %get3A_381 : vector<16xf32>
      %neg3A = arith.constant 0.000000e+00 : f32
      %neg3A_382 = vector.broadcast %neg3A : f32 to vector<16xf32>
      %neg3A_383 = arith.subf %neg3A_382, %select_n3A : vector<16xf32>
      %select_n3A_384 = arith.select %gt3A, %select_n3A, %neg3A_383 : vector<16xi1>, vector<16xf32>
      %swap3A_385 = arith.index_cast %add3A_367 : i32 to index
      %swap3A_386 = tpu.vector_load %arg18[%swap3A_385] {strides = array<i32>} : memref<6272xf32, #tpu.memory_space<vmem>>, vector<16xf32>,
      %swap3A_387 = vector.shape_cast %swap3A_386 : vector<16xf32> to vector<16xf32>
      %swap3A_388 = vector.shape_cast %select_n3A_384 : vector<16xf32> to vector<16xf32>
      tpu.vector_store %arg18[%swap3A_385], %swap3A_388 {strides = array<i32>} : memref<6272xf32, #tpu.memory_space<vmem>>, vector<16xf32>,
    }
    %scan3A_182 = arith.constant 98 : i32
    %add3A_183 = arith.constant 3136 : i32
    %add3A_184 = arith.addi %multiple_of3A, %add3A_183 : i32
    %dma_start3A_185 = arith.constant 3136 : i32
    %dma_start3A_186 = tpu.memref_slice %arg18[%dma_start3A_185] : memref<6272xf32, #tpu.memory_space<vmem>> -> memref<1568xf32, #tpu.memory_space<vmem>>
    %dma_start3A_187 = tpu.memref_slice %arg10[%add3A_184] : memref<200000xf32, #tpu.memory_space<hbm>> -> memref<1568xf32, #tpu.memory_space<hbm>>
    %dma_start3A_188 = tpu.memref_slice %arg10[%add3A_184] : memref<200000xf32, #tpu.memory_space<hbm>> -> memref<1568xf32, #tpu.memory_space<hbm>>
    %dma_start3A_189 = arith.constant 3136 : i32
    %dma_start3A_190 = tpu.memref_slice %arg18[%dma_start3A_189] : memref<6272xf32, #tpu.memory_space<vmem>> -> memref<1568xf32, #tpu.memory_space<vmem>>
    tpu.enqueue_dma source(%dma_start3A_190 : memref<1568xf32, #tpu.memory_space<vmem>>) target(%dma_start3A_188 : memref<1568xf32, #tpu.memory_space<hbm>>) target_semaphore(%arg30 : memref<!tpu.dma_semaphore, #tpu.memory_space<semaphore_mem>>)
    %dma_wait3A_191 = arith.constant 4704 : i32
    %dma_wait3A_192 = tpu.memref_slice %arg16[%dma_wait3A_191] : memref<6272xf32, #tpu.memory_space<vmem>> -> memref<1568xf32, #tpu.memory_space<vmem>>
    %dma_wait3A_193 = arith.constant 4704 : i32
    %dma_wait3A_194 = tpu.memref_slice %arg14[%dma_wait3A_193] : memref<6272xi32, #tpu.memory_space<vmem>> -> memref<1568xi32, #tpu.memory_space<vmem>>
    %dma_wait3A_195 = arith.constant 0 : i32
    %dma_wait3A_196 = tpu.memref_slice %arg6[%dma_wait3A_195] : memref<100000xf32, #tpu.memory_space<hbm>> -> memref<100000xf32, #tpu.memory_space<hbm>>
    tpu.wait_indirect_dma semaphore(%arg29 : memref<!tpu.dma_semaphore, #tpu.memory_space<semaphore_mem>>) src(%dma_wait3A_196 : memref<100000xf32, #tpu.memory_space<hbm>>) dst(%dma_wait3A_192 : memref<1568xf32, #tpu.memory_space<vmem>>)
    %dma_wait3A_197 = arith.constant 4704 : i32
    %dma_wait3A_198 = tpu.memref_slice %arg17[%dma_wait3A_197] : memref<6272xf32, #tpu.memory_space<vmem>> -> memref<1568xf32, #tpu.memory_space<vmem>>
    %dma_wait3A_199 = arith.constant 4704 : i32
    %dma_wait3A_200 = tpu.memref_slice %arg15[%dma_wait3A_199] : memref<6272xi32, #tpu.memory_space<vmem>> -> memref<1568xi32, #tpu.memory_space<vmem>>
    %dma_wait3A_201 = arith.constant 0 : i32
    %dma_wait3A_202 = tpu.memref_slice %arg6[%dma_wait3A_201] : memref<100000xf32, #tpu.memory_space<hbm>> -> memref<100000xf32, #tpu.memory_space<hbm>>
    tpu.wait_indirect_dma semaphore(%arg29 : memref<!tpu.dma_semaphore, #tpu.memory_space<semaphore_mem>>) src(%dma_wait3A_202 : memref<100000xf32, #tpu.memory_space<hbm>>) dst(%dma_wait3A_198 : memref<1568xf32, #tpu.memory_space<vmem>>)
    %scan3A_203 = arith.constant 0 : i32
    %scan3A_204 = arith.constant 0 : i32
    %scan3A_205 = arith.constant 98 : i32
    %scan3A_206 = arith.addi %scan3A_204, %scan3A_205 : i32
    %scan3A_207 = arith.constant 1 : i32
    scf.for %scan3A_363 = %scan3A_204 to %scan3A_206 step %scan3A_207  : i32 {
      %mul3A_364 = arith.constant 16 : i32
      %mul3A_365 = arith.muli %scan3A_363, %mul3A_364 : i32
      %add3A_366 = arith.constant 4704 : i32
      %add3A_367 = arith.addi %add3A_366, %mul3A_365 : i32
      %get3A = arith.index_cast %add3A_367 : i32 to index
      %get3A_368 = tpu.vector_load %arg13[%get3A] {strides = array<i32>} : memref<6272xi32, #tpu.memory_space<vmem>>, vector<16xi32>,
      %get3A_369 = vector.shape_cast %get3A_368 : vector<16xi32> to vector<16xi32>
      %eq3A = arith.constant 4 : i32
      %eq3A_370 = vector.broadcast %eq3A : i32 to vector<16xi32>
      %eq3A_371 = arith.cmpi eq, %get3A_369, %eq3A_370 : vector<16xi32>
      %get3A_372 = arith.index_cast %add3A_367 : i32 to index
      %get3A_373 = tpu.vector_load %arg12[%get3A_372] {strides = array<i32>} : memref<6272xf32, #tpu.memory_space<vmem>>, vector<16xf32>,
      %get3A_374 = vector.shape_cast %get3A_373 : vector<16xf32> to vector<16xf32>
      %jit3A = arith.constant 0.000000e+00 : f32
      %broadcast_in_dim3A_375 = vector.broadcast %jit3A : f32 to vector<16xf32>
      %select_n3A = arith.select %eq3A_371, %broadcast_in_dim3A_375, %get3A_374 : vector<16xi1>, vector<16xf32>
      %get3A_376 = arith.index_cast %add3A_367 : i32 to index
      %get3A_377 = tpu.vector_load %arg16[%get3A_376] {strides = array<i32>} : memref<6272xf32, #tpu.memory_space<vmem>>, vector<16xf32>,
      %get3A_378 = vector.shape_cast %get3A_377 : vector<16xf32> to vector<16xf32>
      %get3A_379 = arith.index_cast %add3A_367 : i32 to index
      %get3A_380 = tpu.vector_load %arg17[%get3A_379] {strides = array<i32>} : memref<6272xf32, #tpu.memory_space<vmem>>, vector<16xf32>,
      %get3A_381 = vector.shape_cast %get3A_380 : vector<16xf32> to vector<16xf32>
      %gt3A = arith.cmpf ogt, %get3A_378, %get3A_381 : vector<16xf32>
      %neg3A = arith.constant 0.000000e+00 : f32
      %neg3A_382 = vector.broadcast %neg3A : f32 to vector<16xf32>
      %neg3A_383 = arith.subf %neg3A_382, %select_n3A : vector<16xf32>
      %select_n3A_384 = arith.select %gt3A, %select_n3A, %neg3A_383 : vector<16xi1>, vector<16xf32>
      %swap3A_385 = arith.index_cast %add3A_367 : i32 to index
      %swap3A_386 = tpu.vector_load %arg18[%swap3A_385] {strides = array<i32>} : memref<6272xf32, #tpu.memory_space<vmem>>, vector<16xf32>,
      %swap3A_387 = vector.shape_cast %swap3A_386 : vector<16xf32> to vector<16xf32>
      %swap3A_388 = vector.shape_cast %select_n3A_384 : vector<16xf32> to vector<16xf32>
      tpu.vector_store %arg18[%swap3A_385], %swap3A_388 {strides = array<i32>} : memref<6272xf32, #tpu.memory_space<vmem>>, vector<16xf32>,
    }
    %scan3A_208 = arith.constant 98 : i32
    %add3A_209 = arith.constant 4704 : i32
    %add3A_210 = arith.addi %multiple_of3A, %add3A_209 : i32
    %dma_start3A_211 = arith.constant 4704 : i32
    %dma_start3A_212 = tpu.memref_slice %arg18[%dma_start3A_211] : memref<6272xf32, #tpu.memory_space<vmem>> -> memref<1568xf32, #tpu.memory_space<vmem>>
    %dma_start3A_213 = tpu.memref_slice %arg10[%add3A_210] : memref<200000xf32, #tpu.memory_space<hbm>> -> memref<1568xf32, #tpu.memory_space<hbm>>
    %dma_start3A_214 = tpu.memref_slice %arg10[%add3A_210] : memref<200000xf32, #tpu.memory_space<hbm>> -> memref<1568xf32, #tpu.memory_space<hbm>>
    %dma_start3A_215 = arith.constant 4704 : i32
    %dma_start3A_216 = tpu.memref_slice %arg18[%dma_start3A_215] : memref<6272xf32, #tpu.memory_space<vmem>> -> memref<1568xf32, #tpu.memory_space<vmem>>
    tpu.enqueue_dma source(%dma_start3A_216 : memref<1568xf32, #tpu.memory_space<vmem>>) target(%dma_start3A_214 : memref<1568xf32, #tpu.memory_space<hbm>>) target_semaphore(%arg30 : memref<!tpu.dma_semaphore, #tpu.memory_space<semaphore_mem>>)
    %dma_wait3A_217 = arith.constant 0 : i32
    %dma_wait3A_218 = tpu.memref_slice %arg18[%dma_wait3A_217] : memref<6272xf32, #tpu.memory_space<vmem>> -> memref<1568xf32, #tpu.memory_space<vmem>>
    %dma_wait3A_219 = tpu.memref_slice %arg10[%add3A_132] : memref<200000xf32, #tpu.memory_space<hbm>> -> memref<1568xf32, #tpu.memory_space<hbm>>
    %dma_wait3A_220 = tpu.memref_slice %arg10[%add3A_132] : memref<200000xf32, #tpu.memory_space<hbm>> -> memref<1568xf32, #tpu.memory_space<hbm>>
    %dma_wait3A_221 = arith.constant 0 : i32
    %dma_wait3A_222 = tpu.memref_slice %arg18[%dma_wait3A_221] : memref<6272xf32, #tpu.memory_space<vmem>> -> memref<1568xf32, #tpu.memory_space<vmem>>
    tpu.wait_dma2 semaphore(%arg30 : memref<!tpu.dma_semaphore, #tpu.memory_space<semaphore_mem>>) src(%dma_wait3A_222 : memref<1568xf32, #tpu.memory_space<vmem>>) dst(%dma_wait3A_220 : memref<1568xf32, #tpu.memory_space<hbm>>)
    %dma_wait3A_223 = arith.constant 1568 : i32
    %dma_wait3A_224 = tpu.memref_slice %arg18[%dma_wait3A_223] : memref<6272xf32, #tpu.memory_space<vmem>> -> memref<1568xf32, #tpu.memory_space<vmem>>
    %dma_wait3A_225 = tpu.memref_slice %arg10[%add3A_158] : memref<200000xf32, #tpu.memory_space<hbm>> -> memref<1568xf32, #tpu.memory_space<hbm>>
    %dma_wait3A_226 = tpu.memref_slice %arg10[%add3A_158] : memref<200000xf32, #tpu.memory_space<hbm>> -> memref<1568xf32, #tpu.memory_space<hbm>>
    %dma_wait3A_227 = arith.constant 1568 : i32
    %dma_wait3A_228 = tpu.memref_slice %arg18[%dma_wait3A_227] : memref<6272xf32, #tpu.memory_space<vmem>> -> memref<1568xf32, #tpu.memory_space<vmem>>
    tpu.wait_dma2 semaphore(%arg30 : memref<!tpu.dma_semaphore, #tpu.memory_space<semaphore_mem>>) src(%dma_wait3A_228 : memref<1568xf32, #tpu.memory_space<vmem>>) dst(%dma_wait3A_226 : memref<1568xf32, #tpu.memory_space<hbm>>)
    %dma_wait3A_229 = arith.constant 3136 : i32
    %dma_wait3A_230 = tpu.memref_slice %arg18[%dma_wait3A_229] : memref<6272xf32, #tpu.memory_space<vmem>> -> memref<1568xf32, #tpu.memory_space<vmem>>
    %dma_wait3A_231 = tpu.memref_slice %arg10[%add3A_184] : memref<200000xf32, #tpu.memory_space<hbm>> -> memref<1568xf32, #tpu.memory_space<hbm>>
    %dma_wait3A_232 = tpu.memref_slice %arg10[%add3A_184] : memref<200000xf32, #tpu.memory_space<hbm>> -> memref<1568xf32, #tpu.memory_space<hbm>>
    %dma_wait3A_233 = arith.constant 3136 : i32
    %dma_wait3A_234 = tpu.memref_slice %arg18[%dma_wait3A_233] : memref<6272xf32, #tpu.memory_space<vmem>> -> memref<1568xf32, #tpu.memory_space<vmem>>
    tpu.wait_dma2 semaphore(%arg30 : memref<!tpu.dma_semaphore, #tpu.memory_space<semaphore_mem>>) src(%dma_wait3A_234 : memref<1568xf32, #tpu.memory_space<vmem>>) dst(%dma_wait3A_232 : memref<1568xf32, #tpu.memory_space<hbm>>)
    %dma_wait3A_235 = arith.constant 4704 : i32
    %dma_wait3A_236 = tpu.memref_slice %arg18[%dma_wait3A_235] : memref<6272xf32, #tpu.memory_space<vmem>> -> memref<1568xf32, #tpu.memory_space<vmem>>
    %dma_wait3A_237 = tpu.memref_slice %arg10[%add3A_210] : memref<200000xf32, #tpu.memory_space<hbm>> -> memref<1568xf32, #tpu.memory_space<hbm>>
    %dma_wait3A_238 = tpu.memref_slice %arg10[%add3A_210] : memref<200000xf32, #tpu.memory_space<hbm>> -> memref<1568xf32, #tpu.memory_space<hbm>>
    %dma_wait3A_239 = arith.constant 4704 : i32
    %dma_wait3A_240 = tpu.memref_slice %arg18[%dma_wait3A_239] : memref<6272xf32, #tpu.memory_space<vmem>> -> memref<1568xf32, #tpu.memory_space<vmem>>
    tpu.wait_dma2 semaphore(%arg30 : memref<!tpu.dma_semaphore, #tpu.memory_space<semaphore_mem>>) src(%dma_wait3A_240 : memref<1568xf32, #tpu.memory_space<vmem>>) dst(%dma_wait3A_238 : memref<1568xf32, #tpu.memory_space<hbm>>)
    %barrier3A = arith.constant 0 : index
    tpu.barrier barrier_id(%barrier3A)
    %broadcast_in_dim3A_241 = arith.constant 1 : i32
    %broadcast_in_dim3A_242 = vector.broadcast %broadcast_in_dim3A_241 : i32 to vector<16xi32>
    %swap3A_243 = arith.constant 0 : index
    %swap3A_244 = tpu.vector_load %arg23[%swap3A_243] {strides = array<i32>} : memref<16xi32, #tpu.memory_space<vmem>>, vector<16xi32>,
    %swap3A_245 = vector.shape_cast %swap3A_244 : vector<16xi32> to vector<16xi32>
    %swap3A_246 = vector.shape_cast %broadcast_in_dim3A_242 : vector<16xi32> to vector<16xi32>
    tpu.vector_store %arg23[%swap3A_243], %swap3A_246 {strides = array<i32>} : memref<16xi32, #tpu.memory_space<vmem>>, vector<16xi32>,
    %mul3A_247 = arith.constant 16 : i32
    %mul3A_248 = arith.muli %arg0, %mul3A_247 : i32
    "tpu.region"() ({
      %run_scoped3A = tpu.sem_alloc : memref<!tpu.dma_semaphore, #tpu.memory_space<semaphore_mem>>
      %dma_start3A_363 = tpu.memref_slice %arg11[%mul3A_248] : memref<32xi32, #tpu.memory_space<hbm>> -> memref<16xi32, #tpu.memory_space<hbm>>
      %dma_start3A_364 = tpu.memref_slice %arg11[%mul3A_248] : memref<32xi32, #tpu.memory_space<hbm>> -> memref<16xi32, #tpu.memory_space<hbm>>
      tpu.enqueue_dma source(%arg23 : memref<16xi32, #tpu.memory_space<vmem>>) target(%dma_start3A_364 : memref<16xi32, #tpu.memory_space<hbm>>) target_semaphore(%run_scoped3A : memref<!tpu.dma_semaphore, #tpu.memory_space<semaphore_mem>>)
      %dma_wait3A_365 = tpu.memref_slice %arg11[%mul3A_248] : memref<32xi32, #tpu.memory_space<hbm>> -> memref<16xi32, #tpu.memory_space<hbm>>
      %dma_wait3A_366 = tpu.memref_slice %arg11[%mul3A_248] : memref<32xi32, #tpu.memory_space<hbm>> -> memref<16xi32, #tpu.memory_space<hbm>>
      tpu.wait_dma2 semaphore(%run_scoped3A : memref<!tpu.dma_semaphore, #tpu.memory_space<semaphore_mem>>) src(%arg23 : memref<16xi32, #tpu.memory_space<vmem>>) dst(%dma_wait3A_366 : memref<16xi32, #tpu.memory_space<hbm>>)
      tpu.yield
    }) : () -> ()
    %sub3A = arith.constant 1 : i32
    %sub3A_249 = arith.subi %sub3A, %arg0 : i32
    %mul3A_250 = arith.constant 16 : i32
    %mul3A_251 = arith.muli %sub3A_249, %mul3A_250 : i32
    %multiple_of3A_252 = tpu.assume_multiple %mul3A_251, 16 : i32
    %broadcast_in_dim3A_253 = arith.constant 0 : i32
    %broadcast_in_dim3A_254 = vector.broadcast %broadcast_in_dim3A_253 : i32 to vector<16xi32>
    %swap3A_255 = arith.constant 0 : index
    %swap3A_256 = tpu.vector_load %arg23[%swap3A_255] {strides = array<i32>} : memref<16xi32, #tpu.memory_space<vmem>>, vector<16xi32>,
    %swap3A_257 = vector.shape_cast %swap3A_256 : vector<16xi32> to vector<16xi32>
    %swap3A_258 = vector.shape_cast %broadcast_in_dim3A_254 : vector<16xi32> to vector<16xi32>
    tpu.vector_store %arg23[%swap3A_255], %swap3A_258 {strides = array<i32>} : memref<16xi32, #tpu.memory_space<vmem>>, vector<16xi32>,
    %scan3A_259 = arith.constant 0 : i32
    %scan3A_260 = arith.constant 0 : i32
    %scan3A_261 = arith.constant 64 : i32
    %scan3A_262 = arith.addi %scan3A_260, %scan3A_261 : i32
    %scan3A_263 = arith.constant 1 : i32
    scf.for %scan3A_363 = %scan3A_260 to %scan3A_262 step %scan3A_263  : i32 {
      %get3A = arith.constant 0 : index
      %get3A_364 = tpu.vector_load %arg23[%get3A] {strides = array<i32>} : memref<16xi32, #tpu.memory_space<vmem>>, vector<16xi32>,
      %get3A_365 = vector.shape_cast %get3A_364 : vector<16xi32> to vector<16xi32>
      %slice3A = vector.extract_strided_slice %get3A_365 {offsets = [0], sizes = [1], strides = [1]} : vector<16xi32> to vector<1xi32>
      %squeeze3A = vector.extract %slice3A[0] : i32 from vector<1xi32>
      %eq3A = arith.constant 0 : i32
      %eq3A_366 = arith.cmpi eq, %squeeze3A, %eq3A : i32
      %convert_element_type3A = arith.extui %eq3A_366 : i1 to i32
      %cond3A = arith.constant 0 : i32
      %cond3A_367 = arith.cmpi ne, %convert_element_type3A, %cond3A : i32
      scf.if %cond3A_367 {
        %scan3A_368 = arith.constant 0 : i32
        %scan3A_369 = arith.constant 0 : i32
        %scan3A_370 = arith.constant 16 : i32
        %scan3A_371 = arith.addi %scan3A_369, %scan3A_370 : i32
        %scan3A_372 = arith.constant 1 : i32
        scf.for %scan3A_374 = %scan3A_369 to %scan3A_371 step %scan3A_372  : i32 {
          %get3A_375 = arith.constant 0 : index
          %get3A_376 = tpu.vector_load %arg23[%get3A_375] {strides = array<i32>} : memref<16xi32, #tpu.memory_space<vmem>>, vector<16xi32>,
          %get3A_377 = vector.shape_cast %get3A_376 : vector<16xi32> to vector<16xi32>
          %slice3A_378 = vector.extract_strided_slice %get3A_377 {offsets = [0], sizes = [1], strides = [1]} : vector<16xi32> to vector<1xi32>
          %squeeze3A_379 = vector.extract %slice3A_378[0] : i32 from vector<1xi32>
          %eq3A_380 = arith.constant 0 : i32
          %eq3A_381 = arith.cmpi eq, %squeeze3A_379, %eq3A_380 : i32
          %convert_element_type3A_382 = arith.extui %eq3A_381 : i1 to i32
          %cond3A_383 = arith.constant 0 : i32
          %cond3A_384 = arith.cmpi ne, %convert_element_type3A_382, %cond3A_383 : i32
          scf.if %cond3A_384 {
            %dma_start3A_385 = tpu.memref_slice %arg11[%multiple_of3A_252] : memref<32xi32, #tpu.memory_space<hbm>> -> memref<16xi32, #tpu.memory_space<hbm>>
            %dma_start3A_386 = tpu.memref_slice %arg11[%multiple_of3A_252] : memref<32xi32, #tpu.memory_space<hbm>> -> memref<16xi32, #tpu.memory_space<hbm>>
            tpu.enqueue_dma source(%dma_start3A_386 : memref<16xi32, #tpu.memory_space<hbm>>) target(%arg23 : memref<16xi32, #tpu.memory_space<vmem>>) target_semaphore(%arg24 : memref<!tpu.dma_semaphore, #tpu.memory_space<semaphore_mem>>)
            %dma_wait3A_387 = tpu.memref_slice %arg11[%multiple_of3A_252] : memref<32xi32, #tpu.memory_space<hbm>> -> memref<16xi32, #tpu.memory_space<hbm>>
            %dma_wait3A_388 = tpu.memref_slice %arg11[%multiple_of3A_252] : memref<32xi32, #tpu.memory_space<hbm>> -> memref<16xi32, #tpu.memory_space<hbm>>
            tpu.wait_dma2 semaphore(%arg24 : memref<!tpu.dma_semaphore, #tpu.memory_space<semaphore_mem>>) src(%dma_wait3A_388 : memref<16xi32, #tpu.memory_space<hbm>>) dst(%arg23 : memref<16xi32, #tpu.memory_space<vmem>>)
          } else {
          }
        }
        %scan3A_373 = arith.constant 16 : i32
      } else {
      }
    }
    %scan3A_264 = arith.constant 64 : i32
    %dma_wait3A_265 = arith.constant 0 : i32
    %dma_wait3A_266 = tpu.memref_slice %arg19[%dma_wait3A_265] : memref<12544xi32, #tpu.memory_space<vmem>> -> memref<3136xi32, #tpu.memory_space<vmem>>
    %dma_wait3A_267 = tpu.memref_slice %arg7[%add3A_26] : memref<400000xi32, #tpu.memory_space<hbm>> -> memref<3136xi32, #tpu.memory_space<hbm>>
    %dma_wait3A_268 = arith.constant 0 : i32
    %dma_wait3A_269 = tpu.memref_slice %arg19[%dma_wait3A_268] : memref<12544xi32, #tpu.memory_space<vmem>> -> memref<3136xi32, #tpu.memory_space<vmem>>
    %dma_wait3A_270 = tpu.memref_slice %arg7[%add3A_26] : memref<400000xi32, #tpu.memory_space<hbm>> -> memref<3136xi32, #tpu.memory_space<hbm>>
    tpu.wait_dma2 semaphore(%arg25 : memref<!tpu.dma_semaphore, #tpu.memory_space<semaphore_mem>>) src(%dma_wait3A_270 : memref<3136xi32, #tpu.memory_space<hbm>>) dst(%dma_wait3A_269 : memref<3136xi32, #tpu.memory_space<vmem>>)
    %dma_start3A_271 = arith.constant 0 : i32
    %dma_start3A_272 = tpu.memref_slice %arg20[%dma_start3A_271] : memref<12544xf32, #tpu.memory_space<vmem>> -> memref<3136xf32, #tpu.memory_space<vmem>>
    %dma_start3A_273 = arith.constant 0 : i32
    %dma_start3A_274 = tpu.memref_slice %arg19[%dma_start3A_273] : memref<12544xi32, #tpu.memory_space<vmem>> -> memref<3136xi32, #tpu.memory_space<vmem>>
    %dma_start3A_275 = arith.constant 0 : i32
    %dma_start3A_276 = tpu.memref_slice %arg10[%dma_start3A_275] : memref<200000xf32, #tpu.memory_space<hbm>> -> memref<200000xf32, #tpu.memory_space<hbm>>
    tpu.enqueue_indirect_dma source(%dma_start3A_276 : memref<200000xf32, #tpu.memory_space<hbm>>) target(%dma_start3A_272 : memref<3136xf32, #tpu.memory_space<vmem>>) offsets(%dma_start3A_274 : memref<3136xi32, #tpu.memory_space<vmem>>) semaphore(%arg26 : memref<!tpu.dma_semaphore, #tpu.memory_space<semaphore_mem>>)
    %dma_wait3A_277 = arith.constant 3136 : i32
    %dma_wait3A_278 = tpu.memref_slice %arg19[%dma_wait3A_277] : memref<12544xi32, #tpu.memory_space<vmem>> -> memref<3136xi32, #tpu.memory_space<vmem>>
    %dma_wait3A_279 = tpu.memref_slice %arg7[%add3A_34] : memref<400000xi32, #tpu.memory_space<hbm>> -> memref<3136xi32, #tpu.memory_space<hbm>>
    %dma_wait3A_280 = arith.constant 3136 : i32
    %dma_wait3A_281 = tpu.memref_slice %arg19[%dma_wait3A_280] : memref<12544xi32, #tpu.memory_space<vmem>> -> memref<3136xi32, #tpu.memory_space<vmem>>
    %dma_wait3A_282 = tpu.memref_slice %arg7[%add3A_34] : memref<400000xi32, #tpu.memory_space<hbm>> -> memref<3136xi32, #tpu.memory_space<hbm>>
    tpu.wait_dma2 semaphore(%arg25 : memref<!tpu.dma_semaphore, #tpu.memory_space<semaphore_mem>>) src(%dma_wait3A_282 : memref<3136xi32, #tpu.memory_space<hbm>>) dst(%dma_wait3A_281 : memref<3136xi32, #tpu.memory_space<vmem>>)
    %dma_start3A_283 = arith.constant 3136 : i32
    %dma_start3A_284 = tpu.memref_slice %arg20[%dma_start3A_283] : memref<12544xf32, #tpu.memory_space<vmem>> -> memref<3136xf32, #tpu.memory_space<vmem>>
    %dma_start3A_285 = arith.constant 3136 : i32
    %dma_start3A_286 = tpu.memref_slice %arg19[%dma_start3A_285] : memref<12544xi32, #tpu.memory_space<vmem>> -> memref<3136xi32, #tpu.memory_space<vmem>>
    %dma_start3A_287 = arith.constant 0 : i32
    %dma_start3A_288 = tpu.memref_slice %arg10[%dma_start3A_287] : memref<200000xf32, #tpu.memory_space<hbm>> -> memref<200000xf32, #tpu.memory_space<hbm>>
    tpu.enqueue_indirect_dma source(%dma_start3A_288 : memref<200000xf32, #tpu.memory_space<hbm>>) target(%dma_start3A_284 : memref<3136xf32, #tpu.memory_space<vmem>>) offsets(%dma_start3A_286 : memref<3136xi32, #tpu.memory_space<vmem>>) semaphore(%arg27 : memref<!tpu.dma_semaphore, #tpu.memory_space<semaphore_mem>>)
    %dma_wait3A_289 = arith.constant 6272 : i32
    %dma_wait3A_290 = tpu.memref_slice %arg19[%dma_wait3A_289] : memref<12544xi32, #tpu.memory_space<vmem>> -> memref<3136xi32, #tpu.memory_space<vmem>>
    %dma_wait3A_291 = tpu.memref_slice %arg7[%add3A_42] : memref<400000xi32, #tpu.memory_space<hbm>> -> memref<3136xi32, #tpu.memory_space<hbm>>
    %dma_wait3A_292 = arith.constant 6272 : i32
    %dma_wait3A_293 = tpu.memref_slice %arg19[%dma_wait3A_292] : memref<12544xi32, #tpu.memory_space<vmem>> -> memref<3136xi32, #tpu.memory_space<vmem>>
    %dma_wait3A_294 = tpu.memref_slice %arg7[%add3A_42] : memref<400000xi32, #tpu.memory_space<hbm>> -> memref<3136xi32, #tpu.memory_space<hbm>>
    tpu.wait_dma2 semaphore(%arg25 : memref<!tpu.dma_semaphore, #tpu.memory_space<semaphore_mem>>) src(%dma_wait3A_294 : memref<3136xi32, #tpu.memory_space<hbm>>) dst(%dma_wait3A_293 : memref<3136xi32, #tpu.memory_space<vmem>>)
    %dma_start3A_295 = arith.constant 6272 : i32
    %dma_start3A_296 = tpu.memref_slice %arg20[%dma_start3A_295] : memref<12544xf32, #tpu.memory_space<vmem>> -> memref<3136xf32, #tpu.memory_space<vmem>>
    %dma_start3A_297 = arith.constant 6272 : i32
    %dma_start3A_298 = tpu.memref_slice %arg19[%dma_start3A_297] : memref<12544xi32, #tpu.memory_space<vmem>> -> memref<3136xi32, #tpu.memory_space<vmem>>
    %dma_start3A_299 = arith.constant 0 : i32
    %dma_start3A_300 = tpu.memref_slice %arg10[%dma_start3A_299] : memref<200000xf32, #tpu.memory_space<hbm>> -> memref<200000xf32, #tpu.memory_space<hbm>>
    tpu.enqueue_indirect_dma source(%dma_start3A_300 : memref<200000xf32, #tpu.memory_space<hbm>>) target(%dma_start3A_296 : memref<3136xf32, #tpu.memory_space<vmem>>) offsets(%dma_start3A_298 : memref<3136xi32, #tpu.memory_space<vmem>>) semaphore(%arg28 : memref<!tpu.dma_semaphore, #tpu.memory_space<semaphore_mem>>)
    %dma_wait3A_301 = arith.constant 9408 : i32
    %dma_wait3A_302 = tpu.memref_slice %arg19[%dma_wait3A_301] : memref<12544xi32, #tpu.memory_space<vmem>> -> memref<3136xi32, #tpu.memory_space<vmem>>
    %dma_wait3A_303 = tpu.memref_slice %arg7[%add3A_50] : memref<400000xi32, #tpu.memory_space<hbm>> -> memref<3136xi32, #tpu.memory_space<hbm>>
    %dma_wait3A_304 = arith.constant 9408 : i32
    %dma_wait3A_305 = tpu.memref_slice %arg19[%dma_wait3A_304] : memref<12544xi32, #tpu.memory_space<vmem>> -> memref<3136xi32, #tpu.memory_space<vmem>>
    %dma_wait3A_306 = tpu.memref_slice %arg7[%add3A_50] : memref<400000xi32, #tpu.memory_space<hbm>> -> memref<3136xi32, #tpu.memory_space<hbm>>
    tpu.wait_dma2 semaphore(%arg25 : memref<!tpu.dma_semaphore, #tpu.memory_space<semaphore_mem>>) src(%dma_wait3A_306 : memref<3136xi32, #tpu.memory_space<hbm>>) dst(%dma_wait3A_305 : memref<3136xi32, #tpu.memory_space<vmem>>)
    %dma_start3A_307 = arith.constant 9408 : i32
    %dma_start3A_308 = tpu.memref_slice %arg20[%dma_start3A_307] : memref<12544xf32, #tpu.memory_space<vmem>> -> memref<3136xf32, #tpu.memory_space<vmem>>
    %dma_start3A_309 = arith.constant 9408 : i32
    %dma_start3A_310 = tpu.memref_slice %arg19[%dma_start3A_309] : memref<12544xi32, #tpu.memory_space<vmem>> -> memref<3136xi32, #tpu.memory_space<vmem>>
    %dma_start3A_311 = arith.constant 0 : i32
    %dma_start3A_312 = tpu.memref_slice %arg10[%dma_start3A_311] : memref<200000xf32, #tpu.memory_space<hbm>> -> memref<200000xf32, #tpu.memory_space<hbm>>
    tpu.enqueue_indirect_dma source(%dma_start3A_312 : memref<200000xf32, #tpu.memory_space<hbm>>) target(%dma_start3A_308 : memref<3136xf32, #tpu.memory_space<vmem>>) offsets(%dma_start3A_310 : memref<3136xi32, #tpu.memory_space<vmem>>) semaphore(%arg29 : memref<!tpu.dma_semaphore, #tpu.memory_space<semaphore_mem>>)
    %dma_wait3A_313 = arith.constant 0 : i32
    %dma_wait3A_314 = tpu.memref_slice %arg20[%dma_wait3A_313] : memref<12544xf32, #tpu.memory_space<vmem>> -> memref<3136xf32, #tpu.memory_space<vmem>>
    %dma_wait3A_315 = arith.constant 0 : i32
    %dma_wait3A_316 = tpu.memref_slice %arg19[%dma_wait3A_315] : memref<12544xi32, #tpu.memory_space<vmem>> -> memref<3136xi32, #tpu.memory_space<vmem>>
    %dma_wait3A_317 = arith.constant 0 : i32
    %dma_wait3A_318 = tpu.memref_slice %arg10[%dma_wait3A_317] : memref<200000xf32, #tpu.memory_space<hbm>> -> memref<200000xf32, #tpu.memory_space<hbm>>
    tpu.wait_indirect_dma semaphore(%arg26 : memref<!tpu.dma_semaphore, #tpu.memory_space<semaphore_mem>>) src(%dma_wait3A_318 : memref<200000xf32, #tpu.memory_space<hbm>>) dst(%dma_wait3A_314 : memref<3136xf32, #tpu.memory_space<vmem>>)
    %scan3A_319 = arith.constant 0 : i32
    %scan3A_320 = arith.constant 0 : i32
    %scan3A_321 = arith.constant 196 : i32
    %scan3A_322 = arith.addi %scan3A_320, %scan3A_321 : i32
    %scan3A_323 = arith.constant 1 : i32
    scf.for %scan3A_363 = %scan3A_320 to %scan3A_322 step %scan3A_323  : i32 {
      %mul3A_364 = arith.constant 16 : i32
      %mul3A_365 = arith.muli %scan3A_363, %mul3A_364 : i32
      %mul3A_366 = arith.constant 16 : i32
      %mul3A_367 = arith.muli %scan3A_363, %mul3A_366 : i32
      %add3A_368 = arith.constant 0 : i32
      %add3A_369 = arith.addi %add3A_368, %mul3A_367 : i32
      %get3A = arith.index_cast %add3A_369 : i32 to index
      %get3A_370 = tpu.vector_load %arg20[%get3A] {strides = array<i32>} : memref<12544xf32, #tpu.memory_space<vmem>>, vector<16xf32>,
      %get3A_371 = vector.shape_cast %get3A_370 : vector<16xf32> to vector<16xf32>
      %swap3A_372 = arith.index_cast %mul3A_365 : i32 to index
      %swap3A_373 = tpu.vector_load %arg22[%swap3A_372] {strides = array<i32>} : memref<3136xf32, #tpu.memory_space<vmem>>, vector<16xf32>,
      %swap3A_374 = vector.shape_cast %swap3A_373 : vector<16xf32> to vector<16xf32>
      %swap3A_375 = vector.shape_cast %get3A_371 : vector<16xf32> to vector<16xf32>
      tpu.vector_store %arg22[%swap3A_372], %swap3A_375 {strides = array<i32>} : memref<3136xf32, #tpu.memory_space<vmem>>, vector<16xf32>,
    }
    %scan3A_324 = arith.constant 196 : i32
    %dma_wait3A_325 = arith.constant 3136 : i32
    %dma_wait3A_326 = tpu.memref_slice %arg20[%dma_wait3A_325] : memref<12544xf32, #tpu.memory_space<vmem>> -> memref<3136xf32, #tpu.memory_space<vmem>>
    %dma_wait3A_327 = arith.constant 3136 : i32
    %dma_wait3A_328 = tpu.memref_slice %arg19[%dma_wait3A_327] : memref<12544xi32, #tpu.memory_space<vmem>> -> memref<3136xi32, #tpu.memory_space<vmem>>
    %dma_wait3A_329 = arith.constant 0 : i32
    %dma_wait3A_330 = tpu.memref_slice %arg10[%dma_wait3A_329] : memref<200000xf32, #tpu.memory_space<hbm>> -> memref<200000xf32, #tpu.memory_space<hbm>>
    tpu.wait_indirect_dma semaphore(%arg27 : memref<!tpu.dma_semaphore, #tpu.memory_space<semaphore_mem>>) src(%dma_wait3A_330 : memref<200000xf32, #tpu.memory_space<hbm>>) dst(%dma_wait3A_326 : memref<3136xf32, #tpu.memory_space<vmem>>)
    %scan3A_331 = arith.constant 0 : i32
    %scan3A_332 = arith.constant 0 : i32
    %scan3A_333 = arith.constant 196 : i32
    %scan3A_334 = arith.addi %scan3A_332, %scan3A_333 : i32
    %scan3A_335 = arith.constant 1 : i32
    scf.for %scan3A_363 = %scan3A_332 to %scan3A_334 step %scan3A_335  : i32 {
      %mul3A_364 = arith.constant 16 : i32
      %mul3A_365 = arith.muli %scan3A_363, %mul3A_364 : i32
      %mul3A_366 = arith.constant 16 : i32
      %mul3A_367 = arith.muli %scan3A_363, %mul3A_366 : i32
      %add3A_368 = arith.constant 3136 : i32
      %add3A_369 = arith.addi %add3A_368, %mul3A_367 : i32
      %get3A = arith.index_cast %add3A_369 : i32 to index
      %get3A_370 = tpu.vector_load %arg20[%get3A] {strides = array<i32>} : memref<12544xf32, #tpu.memory_space<vmem>>, vector<16xf32>,
      %get3A_371 = vector.shape_cast %get3A_370 : vector<16xf32> to vector<16xf32>
      %get3A_372 = arith.index_cast %mul3A_365 : i32 to index
      %get3A_373 = tpu.vector_load %arg22[%get3A_372] {strides = array<i32>} : memref<3136xf32, #tpu.memory_space<vmem>>, vector<16xf32>,
      %get3A_374 = vector.shape_cast %get3A_373 : vector<16xf32> to vector<16xf32>
      %add3A_375 = arith.addf %get3A_374, %get3A_371 : vector<16xf32>
      %swap3A_376 = arith.index_cast %mul3A_365 : i32 to index
      %swap3A_377 = tpu.vector_load %arg22[%swap3A_376] {strides = array<i32>} : memref<3136xf32, #tpu.memory_space<vmem>>, vector<16xf32>,
      %swap3A_378 = vector.shape_cast %swap3A_377 : vector<16xf32> to vector<16xf32>
      %swap3A_379 = vector.shape_cast %add3A_375 : vector<16xf32> to vector<16xf32>
      tpu.vector_store %arg22[%swap3A_376], %swap3A_379 {strides = array<i32>} : memref<3136xf32, #tpu.memory_space<vmem>>, vector<16xf32>,
    }
    %scan3A_336 = arith.constant 196 : i32
    %dma_wait3A_337 = arith.constant 6272 : i32
    %dma_wait3A_338 = tpu.memref_slice %arg20[%dma_wait3A_337] : memref<12544xf32, #tpu.memory_space<vmem>> -> memref<3136xf32, #tpu.memory_space<vmem>>
    %dma_wait3A_339 = arith.constant 6272 : i32
    %dma_wait3A_340 = tpu.memref_slice %arg19[%dma_wait3A_339] : memref<12544xi32, #tpu.memory_space<vmem>> -> memref<3136xi32, #tpu.memory_space<vmem>>
    %dma_wait3A_341 = arith.constant 0 : i32
    %dma_wait3A_342 = tpu.memref_slice %arg10[%dma_wait3A_341] : memref<200000xf32, #tpu.memory_space<hbm>> -> memref<200000xf32, #tpu.memory_space<hbm>>
    tpu.wait_indirect_dma semaphore(%arg28 : memref<!tpu.dma_semaphore, #tpu.memory_space<semaphore_mem>>) src(%dma_wait3A_342 : memref<200000xf32, #tpu.memory_space<hbm>>) dst(%dma_wait3A_338 : memref<3136xf32, #tpu.memory_space<vmem>>)
    %scan3A_343 = arith.constant 0 : i32
    %scan3A_344 = arith.constant 0 : i32
    %scan3A_345 = arith.constant 196 : i32
    %scan3A_346 = arith.addi %scan3A_344, %scan3A_345 : i32
    %scan3A_347 = arith.constant 1 : i32
    scf.for %scan3A_363 = %scan3A_344 to %scan3A_346 step %scan3A_347  : i32 {
      %mul3A_364 = arith.constant 16 : i32
      %mul3A_365 = arith.muli %scan3A_363, %mul3A_364 : i32
      %mul3A_366 = arith.constant 16 : i32
      %mul3A_367 = arith.muli %scan3A_363, %mul3A_366 : i32
      %add3A_368 = arith.constant 6272 : i32
      %add3A_369 = arith.addi %add3A_368, %mul3A_367 : i32
      %get3A = arith.index_cast %add3A_369 : i32 to index
      %get3A_370 = tpu.vector_load %arg20[%get3A] {strides = array<i32>} : memref<12544xf32, #tpu.memory_space<vmem>>, vector<16xf32>,
      %get3A_371 = vector.shape_cast %get3A_370 : vector<16xf32> to vector<16xf32>
      %get3A_372 = arith.index_cast %mul3A_365 : i32 to index
      %get3A_373 = tpu.vector_load %arg22[%get3A_372] {strides = array<i32>} : memref<3136xf32, #tpu.memory_space<vmem>>, vector<16xf32>,
      %get3A_374 = vector.shape_cast %get3A_373 : vector<16xf32> to vector<16xf32>
      %add3A_375 = arith.addf %get3A_374, %get3A_371 : vector<16xf32>
      %swap3A_376 = arith.index_cast %mul3A_365 : i32 to index
      %swap3A_377 = tpu.vector_load %arg22[%swap3A_376] {strides = array<i32>} : memref<3136xf32, #tpu.memory_space<vmem>>, vector<16xf32>,
      %swap3A_378 = vector.shape_cast %swap3A_377 : vector<16xf32> to vector<16xf32>
      %swap3A_379 = vector.shape_cast %add3A_375 : vector<16xf32> to vector<16xf32>
      tpu.vector_store %arg22[%swap3A_376], %swap3A_379 {strides = array<i32>} : memref<3136xf32, #tpu.memory_space<vmem>>, vector<16xf32>,
    }
    %scan3A_348 = arith.constant 196 : i32
    %dma_wait3A_349 = arith.constant 9408 : i32
    %dma_wait3A_350 = tpu.memref_slice %arg20[%dma_wait3A_349] : memref<12544xf32, #tpu.memory_space<vmem>> -> memref<3136xf32, #tpu.memory_space<vmem>>
    %dma_wait3A_351 = arith.constant 9408 : i32
    %dma_wait3A_352 = tpu.memref_slice %arg19[%dma_wait3A_351] : memref<12544xi32, #tpu.memory_space<vmem>> -> memref<3136xi32, #tpu.memory_space<vmem>>
    %dma_wait3A_353 = arith.constant 0 : i32
    %dma_wait3A_354 = tpu.memref_slice %arg10[%dma_wait3A_353] : memref<200000xf32, #tpu.memory_space<hbm>> -> memref<200000xf32, #tpu.memory_space<hbm>>
    tpu.wait_indirect_dma semaphore(%arg29 : memref<!tpu.dma_semaphore, #tpu.memory_space<semaphore_mem>>) src(%dma_wait3A_354 : memref<200000xf32, #tpu.memory_space<hbm>>) dst(%dma_wait3A_350 : memref<3136xf32, #tpu.memory_space<vmem>>)
    %dma_wait3A_355 = tpu.memref_slice %arg8[%multiple_of3A_24] : memref<100000xf32, #tpu.memory_space<hbm>> -> memref<3136xf32, #tpu.memory_space<hbm>>
    %dma_wait3A_356 = tpu.memref_slice %arg8[%multiple_of3A_24] : memref<100000xf32, #tpu.memory_space<hbm>> -> memref<3136xf32, #tpu.memory_space<hbm>>
    tpu.wait_dma2 semaphore(%arg25 : memref<!tpu.dma_semaphore, #tpu.memory_space<semaphore_mem>>) src(%dma_wait3A_356 : memref<3136xf32, #tpu.memory_space<hbm>>) dst(%arg21 : memref<3136xf32, #tpu.memory_space<vmem>>)
    %scan3A_357 = arith.constant 0 : i32
    %scan3A_358 = arith.constant 0 : i32
    %scan3A_359 = arith.constant 196 : i32
    %scan3A_360 = arith.addi %scan3A_358, %scan3A_359 : i32
    %scan3A_361 = arith.constant 1 : i32
    scf.for %scan3A_363 = %scan3A_358 to %scan3A_360 step %scan3A_361  : i32 {
      %mul3A_364 = arith.constant 16 : i32
      %mul3A_365 = arith.muli %scan3A_363, %mul3A_364 : i32
      %mul3A_366 = arith.constant 16 : i32
      %mul3A_367 = arith.muli %scan3A_363, %mul3A_366 : i32
      %add3A_368 = arith.constant 9408 : i32
      %add3A_369 = arith.addi %add3A_368, %mul3A_367 : i32
      %get3A = arith.index_cast %add3A_369 : i32 to index
      %get3A_370 = tpu.vector_load %arg20[%get3A] {strides = array<i32>} : memref<12544xf32, #tpu.memory_space<vmem>>, vector<16xf32>,
      %get3A_371 = vector.shape_cast %get3A_370 : vector<16xf32> to vector<16xf32>
      %get3A_372 = arith.index_cast %mul3A_365 : i32 to index
      %get3A_373 = tpu.vector_load %arg22[%get3A_372] {strides = array<i32>} : memref<3136xf32, #tpu.memory_space<vmem>>, vector<16xf32>,
      %get3A_374 = vector.shape_cast %get3A_373 : vector<16xf32> to vector<16xf32>
      %add3A_375 = arith.addf %get3A_374, %get3A_371 : vector<16xf32>
      %get3A_376 = arith.index_cast %mul3A_365 : i32 to index
      %get3A_377 = tpu.vector_load %arg21[%get3A_376] {strides = array<i32>} : memref<3136xf32, #tpu.memory_space<vmem>>, vector<16xf32>,
      %get3A_378 = vector.shape_cast %get3A_377 : vector<16xf32> to vector<16xf32>
      %sub3A_379 = arith.subf %add3A_375, %get3A_378 : vector<16xf32>
      %swap3A_380 = arith.index_cast %mul3A_365 : i32 to index
      %swap3A_381 = tpu.vector_load %arg22[%swap3A_380] {strides = array<i32>} : memref<3136xf32, #tpu.memory_space<vmem>>, vector<16xf32>,
      %swap3A_382 = vector.shape_cast %swap3A_381 : vector<16xf32> to vector<16xf32>
      %swap3A_383 = vector.shape_cast %sub3A_379 : vector<16xf32> to vector<16xf32>
      tpu.vector_store %arg22[%swap3A_380], %swap3A_383 {strides = array<i32>} : memref<3136xf32, #tpu.memory_space<vmem>>, vector<16xf32>,
    }
    %scan3A_362 = arith.constant 196 : i32
    "tpu.region"() ({
      %run_scoped3A = tpu.sem_alloc : memref<!tpu.dma_semaphore, #tpu.memory_space<semaphore_mem>>
      %dma_start3A_363 = tpu.memref_slice %arg9[%multiple_of3A_24] : memref<100000xf32, #tpu.memory_space<hbm>> -> memref<3136xf32, #tpu.memory_space<hbm>>
      %dma_start3A_364 = tpu.memref_slice %arg9[%multiple_of3A_24] : memref<100000xf32, #tpu.memory_space<hbm>> -> memref<3136xf32, #tpu.memory_space<hbm>>
      tpu.enqueue_dma source(%arg22 : memref<3136xf32, #tpu.memory_space<vmem>>) target(%dma_start3A_364 : memref<3136xf32, #tpu.memory_space<hbm>>) target_semaphore(%run_scoped3A : memref<!tpu.dma_semaphore, #tpu.memory_space<semaphore_mem>>)
      %dma_wait3A_365 = tpu.memref_slice %arg9[%multiple_of3A_24] : memref<100000xf32, #tpu.memory_space<hbm>> -> memref<3136xf32, #tpu.memory_space<hbm>>
      %dma_wait3A_366 = tpu.memref_slice %arg9[%multiple_of3A_24] : memref<100000xf32, #tpu.memory_space<hbm>> -> memref<3136xf32, #tpu.memory_space<hbm>>
      tpu.wait_dma2 semaphore(%run_scoped3A : memref<!tpu.dma_semaphore, #tpu.memory_space<semaphore_mem>>) src(%arg22 : memref<3136xf32, #tpu.memory_space<vmem>>) dst(%dma_wait3A_366 : memref<3136xf32, #tpu.memory_space<hbm>>)
      tpu.yield
    }) : () -> ()
    return
  }
}

</mosaic_0001>

<sc_bundles>
// kernel: kernel.3.cloned.1.call-start
scs
__scs_entry_jumppad:
0x0: {  	(pc) =	sbr.rel $0x88, $3  }
0x1: {  	(tag) =	ssettag $0x0;
	lr =	simm.s32 $0x1  }
0x2: {  	[smem:$0x3F9A] =	sst lr;
	_ =	strace $0xD0000000  }
0x3: {  	_ = 	snop  }
0x4: {  	_ = 	snop  }
0x5: {  	_ = 	snop  }
0x6: {  	_ = 	snop  }
0x7: {  	_ = 	snop  }
__scs_overlays_trampoline_lowered:
0x8: {  	[smem:$0x3FA9] =	sst s0  }
0x9: {  	[smem:$0x3FAA] =	sst s1  }
0xa: {  	[smem:$0x3FAB] =	sst s2  }
0xb: {  	[smem:$0x3FAC] =	sst s3  }
0xc: {  	[smem:$0x3FAD] =	sst s4  }
0xd: {  	[smem:$0x3FAE] =	sst s5  }
0xe: {  	[smem:$0x3FAF] =	sst s6  }
0xf: {  	[smem:$0x3FB0] =	sst s7  }
0x10: {  	[smem:$0x3FB1] =	sst s8  }
0x11: {  	[smem:$0x3FB2] =	sst s9;
	s0 =	simm.s32 @!p0 $0x0  }
0x12: {  	s1 =	sld [smem:$0x3F98];
	s0 =	simm.s32 @p0 $0x1  }
0x13: {  	[smem:$0x3FB3] =	sst s0;
	s0 =	simm.s32 @!p1 $0x0  }
0x14: {  	s2 =	sld [smem:$0x3F97];
	s0 =	simm.s32 @p1 $0x1  }
0x15: {  	[smem:$0x3FB4] =	sst s0;
	s0 =	simm.s32 @!p2 $0x0  }
0x16: {  	s3 =	sld [smem:$0x3FDB];
	s0 =	simm.s32 @p2 $0x1  }
0x17: {  	s4 =	simm.s32 $0x1BF5;
	[smem:$0x3FB6] =	sst s0  }
0x18: {  	s0 =	sld [smem:$0x3F99];
	_ =	swait.ge [sflag:s4], $0x0  }
0x19: {  	s7 =	sld [smem:$0x3F9A]  }
0x1a: {  	s8 =	sadd.s32 $0xFFFFE003, lr  }
0x1b: {  	s9 =	sadd.s32 $0xFFFFFEF7, lr;
	s5 =	simm.s32 $0xFFFFFFFF;
	p2 =	slt.u32 s8, $0xFFFFF086  }
0x1c: {  	p1 =	slt.u32 s9, $0xF7A;
	s5 =	simm.s32 @!p2 $0x0  }
0x1d: {  	s5 =	simm.s32 @p1 $0x1;
	p0 =	seq.s32 s7, s2  }
0x1e: {  	s7 =	smul.u32 @!p0 $0xF7A, s2;
	p2 =	seq.s32 @!p0 s5, $0x0  }
0x1f: {  	s9 =	smul.u32 $0xF7A, s1;
	s8 =	simm.s32 @!p0 $0x1BF5;
	p2 =	por !p2, p0  }
0x20: {  	[sflag:s8] =	ssyncset.s32 @!p0 $0xFFFFF086;
	s6 =	sadd.s32 @!p0 s3, s7;
	s7 =	simm.s32 @!p0 $0x108  }
0x21: {  	s3 =	sadd.s32 s3, s9;
	s6 =	sadd.s32 @!p0 $0x88, s6;
	s7 =	simm.s32 @p2 $0x1082  }
0x22: {  	[simem:s7], [sflag:s8] =	dma.local @!p0 [hbm:s6], $0xF7A  }
0x23: {  	s9 =	sor.u32 $0xD0000000, s2;
	s6 =	simm.s32 $0x108;
	_ =	swait.ge @!p0 [sflag:s8], $0x0  }
0x24: {  	s3 =	sadd.s32 $0x88, s3;
	s6 =	simm.s32 @!p1 $0x1082;
	[sflag:s4] =	ssyncset.s32 $0xFFFFF086  }
0x25: {  	[simem:s6], [sflag:s4] =	dma.local [hbm:s3], $0xF7A  }
0x26: {  	[smem:$0x3F9A] =	sst s1;
	(tag) =	ssettag s2;
	_ =	strace s9  }
0x27: {  	s1 =	sld [smem:$0x3FAA]  }
0x28: {  	s2 =	sld [smem:$0x3FAB]  }
0x29: {  	s4 =	sld [smem:$0x3FAD]  }
0x2a: {  	p0 =	seq.s32 s5, $0x0;
	s5 =	sld [smem:$0x3FAE]  }
0x2b: {  	s6 =	sld [smem:$0x3FAF]  }
0x2c: {  	s7 =	sld [smem:$0x3FB0]  }
0x2d: {  	s3 =	simm.s32 $0x108;
	s8 =	sld [smem:$0x3FB1]  }
0x2e: {  	s3 =	simm.s32 @!p0 $0x1082;
	s9 =	sld [smem:$0x3FB2]  }
0x2f: {  	lr =	sadd.s32 s0, s3;
	s0 =	sld [smem:$0x3FA9]  }
0x30: {  	s3 =	sld [smem:$0x3FAC]  }
0x31: {  	[smem:$0x3FB5] =	sst s10  }
0x32: {  	s10 =	sld [smem:$0x3FB3];
	_ =	sdelay $0x3  }
0x33: {  	p0 =	seq.s32 s10, $0x1;
	s10 =	sld [smem:$0x3FB5];
	_ =	sdelay $0x3  }
0x34: {  	[smem:$0x3FB5] =	sst s10  }
0x35: {  	s10 =	sld [smem:$0x3FB4];
	_ =	sdelay $0x3  }
0x36: {  	p1 =	seq.s32 s10, $0x1;
	s10 =	sld [smem:$0x3FB5];
	_ =	sdelay $0x3  }
0x37: {  	[smem:$0x3FB5] =	sst s10  }
0x38: {  	s10 =	sld [smem:$0x3FB6]  }
0x39: {  	_ = 	snop;
	(pc) =	sbr.ind lr, $3  }
0x3a: {  	_ = 	snop  }
0x3b: {  	_ = 	snop  }
0x3c: {  	p2 =	seq.s32 s10, $0x1;
	s10 =	sld [smem:$0x3FB5]  }
0x3d: {  	_ =	shalt  }
0x3e: {  	_ =	shalt  }
0x3f: {  	_ =	shalt  }
0x40: {  	_ =	shalt  }
0x41: {  	_ =	shalt  }
0x42: {  	_ =	shalt  }
0x43: {  	_ =	shalt  }
0x44: {  	_ =	shalt  }
0x45: {  	_ =	shalt  }
0x46: {  	_ =	shalt  }
0x47: {  	_ =	shalt  }
0x48: {  	_ =	shalt  }
0x49: {  	_ =	shalt  }
0x4a: {  	_ =	shalt  }
0x4b: {  	_ =	shalt  }
0x4c: {  	_ =	shalt  }
0x4d: {  	_ =	shalt  }
0x4e: {  	_ =	shalt  }
0x4f: {  	_ =	shalt  }
0x50: {  	_ =	shalt  }
0x51: {  	_ =	shalt  }
0x52: {  	_ =	shalt  }
0x53: {  	_ =	shalt  }
0x54: {  	_ =	shalt  }
0x55: {  	_ =	shalt  }
0x56: {  	_ =	shalt  }
0x57: {  	_ =	shalt  }
0x58: {  	_ =	shalt  }
0x59: {  	_ =	shalt  }
0x5a: {  	_ =	shalt  }
0x5b: {  	_ =	shalt  }
0x5c: {  	_ =	shalt  }
0x5d: {  	_ =	shalt  }
0x5e: {  	_ =	shalt  }
0x5f: {  	_ =	shalt  }
0x60: {  	_ =	shalt  }
0x61: {  	_ =	shalt  }
0x62: {  	_ =	shalt  }
0x63: {  	_ =	shalt  }
0x64: {  	_ =	shalt  }
0x65: {  	_ =	shalt  }
0x66: {  	_ =	shalt  }
0x67: {  	_ =	shalt  }
0x68: {  	_ =	shalt  }
0x69: {  	_ =	shalt  }
0x6a: {  	_ =	shalt  }
0x6b: {  	_ =	shalt  }
0x6c: {  	_ =	shalt  }
0x6d: {  	_ =	shalt  }
0x6e: {  	_ =	shalt  }
0x6f: {  	_ =	shalt  }
0x70: {  	_ =	shalt  }
0x71: {  	_ =	shalt  }
0x72: {  	_ =	shalt  }
0x73: {  	_ =	shalt  }
0x74: {  	_ =	shalt  }
0x75: {  	_ =	shalt  }
0x76: {  	_ =	shalt  }
0x77: {  	_ =	shalt  }
0x78: {  	_ =	shalt  }
0x79: {  	_ =	shalt  }
0x7a: {  	_ =	shalt  }
0x7b: {  	_ =	shalt  }
0x7c: {  	_ =	shalt  }
0x7d: {  	_ =	shalt  }
0x7e: {  	_ =	shalt  }
0x7f: {  	_ =	shalt  }
0x80: {  	_ =	shalt  }
0x81: {  	_ =	shalt  }
0x82: {  	_ =	shalt  }
0x83: {  	_ =	shalt  }
0x84: {  	_ =	shalt  }
0x85: {  	_ =	shalt  }
0x86: {  	_ =	shalt  }
0x87: {  	_ =	shalt  }
.Lfunc_end0:
.L_simem_size_0:
called_computation_lowered:
.L_overlay_start_0:
0x88: {  	s2 =	sld [smem:$0x3FD9]  }
0x89: {  	s3 =	sld [smem:$0x3FFE];
	_ =	sdelay $0x1  }
0x8a: {  	s1 =	srdreg.scid  }
0x8b: {  	s0 =	sand.u32 $0x1, s1  }
0x8c: {  	s17 =	sshll.u32 s0, $0xA;
	s2 =	sadd.s32 s3, s2  }
0x8d: {  	s2 =	sadd.s32 s2, s17  }
0x8e: {  	[smem:$0x3FC1] =	sst s2  }
0x8f: {  	_ = 	snop  }
0x90: {  	s2 =	sld [smem:$0x3FC9]  }
0x91: {  	s18 =	sld [smem:$0x3FC8]  }
0x92: {  	s4 =	sld [smem:$0x3FC7]  }
0x93: {  	s5 =	sld [smem:$0x3FC6]  }
0x94: {  	s6 =	sld [smem:$0x3FC5]  }
0x95: {  	s7 =	sld [smem:$0x3FC4]  }
0x96: {  	s8 =	sld [smem:$0x3FD0];
	(tm) =	ssettm $0x1  }
0x97: {  	s9 =	sld [smem:$0x3FFB];
	_ =	sdelay $0x3  }
0x98: {  	_ =	strace s9  }
0x99: {  	s9 =	sld [smem:$0x3FFC];
	_ =	sdelay $0x3  }
0x9a: {  	_ =	strace s9  }
0x9b: {  	s9 =	sld [smem:$0x3FFD];
	_ =	sdelay $0x3  }
0x9c: {  	_ =	strace s9  }
0x9d: {  	_ =	strace $0x8FFFFFFF  }
0x9e: {  	s19 =	sld [smem:$0x3FDB];
	_ =	sdelay $0x1  }
0x9f: {  	s10 =	simm.s32 $_scs_section_size  }
0xa0: {  	s11 =	simm.s32 $_size__tile_overlayer_lowered;
	s12 =	simm.s32 $_tile_overlayer_lowered  }
0xa1: {  	s22 =	simm.s32 $0x1BFF;
	s21 =	sshll.u32 s12, $0x1;
	s9 =	sadd.s32 s10, s19  }
0xa2: {  	s13 =	simm.s32 $0x0;
	s20 =	sshll.u32 s11, $0x1;
	s11 =	sadd.s32 s21, s9  }
0xa3: {  	[timem:s13], [sflag:s22] =	dma.local [hbm:s11], s20  }
0xa4: {  	_ =	swait.ge [sflag:s22], s20  }
0xa5: {  	s10 =	ssub.s32 $0x0, s20;
	[sflag:s22] =	ssyncset.done $0x0  }
0xa6: {  	[sflag:s22] =	ssyncadd.s32 s10;
	_ =	sdelay $0x1  }
0xa7: {  	s23 =	simm.s32 $0x1B8B  }
0xa8: {  	_ =	swait.ge [sflag:s23], $0x1  }
0xa9: {  	[sflag:s23] =	ssyncset.done $0x0  }
0xaa: {  	s25 =	simm.s32 $0x1B8E;
	s24 =	sld [smem:$0x3FFE];
	[sflag:s23] =	ssyncadd.s32 $0xFFFFFFFF  }
0xab: {  	s26 =	simm.s32 $execute0_lowered;
	[smem:$0x3FD2] =	sst s25  }
0xac: {  	s11 =	sshll.u32 s26, $0x1;
	_ =	strace $0x80000046;
	[dreg:$0x1] =	wrdreg $0xFFFFFFFF  }
0xad: {  	s28 =	simm.s32 $_size_execute0_lowered;
	s9 =	sadd.s32 s9, s11;
	[dreg:$0x0] =	wrdreg $0x0  }
0xae: {  	s11 =	sshll.u32 s28, $0x1;
	[dreg:$0x2] =	wrdreg s9  }
0xaf: {  	[dreg:$0x3] =	wrdreg s11  }
0xb0: {  	[dreg:$0x4] =	wrdreg $0xC0  }
0xb1: {  	_ =	task [dreg:s13], $0x5FFFF  }
0xb2: {  	[dreg:$0x1] =	wrdreg $0xFFFFFFFF  }
0xb3: {  	[dreg:$0x0] =	wrdreg $0x60  }
0xb4: {  	[dreg:$0x2] =	wrdreg s2  }
0xb5: {  	[dreg:$0x3] =	wrdreg s5  }
0xb6: {  	[dreg:$0x4] =	wrdreg s6  }
0xb7: {  	[dreg:$0x5] =	wrdreg s7  }
0xb8: {  	[dreg:$0x6] =	wrdreg s18  }
0xb9: {  	[dreg:$0x7] =	wrdreg s24  }
0xba: {  	[dreg:$0x8] =	wrdreg s4  }
0xbb: {  	[dreg:$0x9] =	wrdreg s8  }
0xbc: {  	[dreg:$0xa] =	wrdreg $0x9  }
0xbd: {  	_ =	task.clear_ibuf [dreg:s13], $0xBFFFF;
	_ =	strace $0x90000046  }
0xbe: {  	s29 =	simm.s32 $0x9;
	_ =	strace $0x80000048  }
0xbf: {  	_ =	swait.ge [sflag:s29], $0x1  }
0xc0: {  	[sflag:s29] =	ssyncadd.s32 $0xFFFFFFFF  }
0xc1: {  	_ =	strace $0x90000048  }
0xc2: {  	_ =	sfence  }
0xc3: {  	s30 =	sld [smem:$0x0];
	_ =	sdelay $0x2  }
0xc4: {  	s31 =	sshll.u32 s1, $0xD;
	s1 =	sshrl.u32 s1, $0x2  }
0xc5: {  	s3 =	sand.u32 $0x4000, s31;
	s1 =	sadd.s32 s1, s30  }
0xc6: {  	s0 =	sor.u32 s3, s0;
	s1 =	sshll.u32 s1, $0x11  }
0xc7: {  	s0 =	sor.u32 s1, s0  }
0xc8: {  	s0 =	sadd.s32 $0x8F2B, s0  }
0xc9: {  	[sflag:s0] =	ssyncadd.remote.s32 $0x1  }
0xca: {  	_ =	sfence.sel $0xFFFF  }
0xcb: {  	[dreg:$0x0] =	wrdreg $0xFFFFFFFF;
	(pc) =	sbr.abs _section_cstart, $3  }
0xcc: {  	[dreg:$0x1] =	wrdreg $0xFFFFFFFF  }
0xcd: {  	_ =	task.clear_ibuf [dreg:s13], $0x2FFFF;
	_ =	strace $0x9FFFFFFF  }
0xce: {  	(tm) =	ssettm $0x7FFFFFFF  }
0xcf: {  	_ =	shalt  }
tec
execute0_lowered:
.L_overlay_start_1:
0x0: {  	(tag) =	ssettag $0x1  }
0x1: {  	s0 =	rddreg [dreg:$0x0]  }
0x2: {  	s2 =	rddreg [dreg:$0x1]  }
0x3: {  	s6 =	rddreg [dreg:$0x2]  }
0x4: {  	s7 =	rddreg [dreg:$0x3]  }
0x5: {  	s1 =	rddreg [dreg:$0x4]  }
0x6: {  	s5 =	rddreg [dreg:$0x5];
	s3 =	srdreg.scid  }
0x7: {  	s12 =	stileid.u32;
	s8 =	rddreg [dreg:$0x6]  }
0x8: {  	s10 =	rddreg [dreg:$0x7];
	s28 =	simm.s32 $0xAB80;
	s29 =	simm.s32 $0xB7C0  }
0x9: {  	s30 =	simm.s32 $0xC400;
	s31 =	simm.s32 $0xD040;
	s9 =	sand.u32 $0x1, s3  }
0xa: {  	s23 =	smul.u32 $0xC40, s12;
	s3 =	simm.s32 $0x0;
	s24 =	sshll.u32 s12, $0x1  }
0xb: {  	s15 =	sadd.s32 $0x12E00, s5;
	s4 =	smul.u32 $0xC350, s9;
	[smem:$0x7FF] =	sst s3  }
0xc: {  	s25 =	sor.u32 s9, s24;
	s16 =	ssub.s32 $0x2, s9;
	s9 =	sshll.u32 s9, $0x1  }
0xd: {  	s11 =	smin.u32 s23, $0xB710;
	s13 =	smul.u32 $0x1880, s25;
	s14 =	sshrl.u32 s16, $0x1  }
0xe: {  	_ =	strace $0x80000047;
	s4 =	sadd.s32 s4, s11;
	s21 =	ssub.s32 s16, s14  }
0xf: {  	s11 =	simm.s32 $0xC40;
	s12 =	sshrl.u32 s4, $0x3;
	s13 =	smin.u32 s13, $0x2F4C0  }
0x10: {  	s4 =	sadd.s32 $0xCC00, s5;
	s13 =	sshrl.u32 s13, $0x3;
	s24 =	sadd.s32 s8, s12  }
0x11: {  	s21 =	smax.u32 s21, $0x1;
	s6 =	sadd.s32 s6, s13;
	[dreg:$0x11] =	wrdreg s24  }
0x12: {  	s26 =	sadd.s32 s12, s5;
	s17 =	sadd.s32 s7, s13;
	[dreg:$0x9] =	wrdreg s6  }
0x13: {  	s5 =	sadd.s32 s15, s9;
	s0 =	sadd.s32 s0, s13;
	[dreg:$0xa] =	wrdreg s17  }
0x14: {  	s8 =	simm.s32 $0x6;
	s18 =	sadd.s32 s2, s13;
	[dreg:$0xb] =	wrdreg s0  }
0x15: {  	s19 =	sadd.s32 $0x800, s26;
	s20 =	sadd.s32 $0x38D4, s26;
	[dreg:$0xc] =	wrdreg s18  }
0x16: {  	s22 =	sadd.s32 $0x69A8, s26;
	s23 =	sadd.s32 $0x9A7C, s26;
	[dreg:$0xd] =	wrdreg s19  }
0x17: {  	s14 =	sadd.s32 s4, s13;
	s26 =	sxor.u32 $0x2, s9;
	[dreg:$0xe] =	wrdreg s20  }
0x18: {  	s2 =	simm.s32 $0x3;
	s7 =	simm.s32 $0x5;
	[dreg:$0xf] =	wrdreg s22  }
0x19: {  	s9 =	simm.s32 $0x7;
	[dreg:$0x10] =	wrdreg s23;
	s25 =	sadd.s32 $0xC4, s14  }
0x1a: {  	s17 =	sadd.s32 $0x188, s14;
	s18 =	sadd.s32 $0x24C, s14;
	s19 =	sadd.s32 s15, s26  }
0x1b: {  	s20 =	sadd.s32 s10, s12;
	s23 =	simm.s32 $0x8;
	s0 =	simm.s32 $0x1  }
0x1c: {  	s26 =	simm.s32 $0x620;
	s6 =	simm.s32 $0x4;
	s10 =	simm.s32 $0x2  }
0x1d: {  	v0 =	vimm.s32 $0x0;
	v1 =	vimm.s32 $0x1;
	s12 =	simm.s32 $0x0;
	[dreg:$0x12] =	wrdreg s25;
	s25 =	simm.s32 $0x4980  }
.LBB2_1:
0x1e: {  	[tilespmem:$0x12680] =	vst v0;
	s13 =	simm.s32 $0x12680  }
0x1f: {  	[hbm4b:s5+s3] =	stream.linear.scatter [tilespmem:s13], [sflag:$0x8], $0x10, $0x38;
	[tilespmem:$0x12700] =	vst v63  }
0x20: {  	_ =	swait.ge [sflag:s23], $0x10  }
0x21: {  	[sflag:s23] =	ssyncset.done $0x0  }
0x22: {  	s15 =	simm.s32 $0x3100;
	s24 =	rddreg [dreg:$0x9];
	[sflag:s23] =	ssyncadd.s32 $0xFFFFFFF0  }
0x23: {  	[tilespmem:s15], [sflag:$0x1] =	stream.linear.gather [hbm4b:s24+s3], $0x1880, $0x38;
	[tilespmem:$0x12700] =	vst v63  }
0x24: {  	s16 =	rddreg [dreg:$0xa]  }
0x25: {  	[tilespmem:s25], [sflag:$0x1] =	stream.linear.gather [hbm4b:s16+s3], $0x1880, $0x38;
	[tilespmem:$0x12700] =	vst v63  }
0x26: {  	s22 =	rddreg [dreg:$0xb]  }
0x27: {  	[tilespmem:s3], [sflag:$0x1] =	stream.linear.gather [hbm4b:s22+s3], $0x1880, $0x38;
	[tilespmem:$0x12700] =	vst v63  }
0x28: {  	s24 =	rddreg [dreg:$0xc];
	s16 =	simm.s32 $0x1880  }
0x29: {  	[tilespmem:s16], [sflag:$0x1] =	stream.linear.gather [hbm4b:s24+s3], $0x1880, $0x38;
	[tilespmem:$0x12700] =	vst v63  }
0x2a: {  	s16 =	rddreg [dreg:$0xd]  }
0x2b: {  	[tilespmem:s28], [sflag:$0x2] =	stream.linear.gather [hbm4b:s16+s3], $0xC40, $0x38;
	[tilespmem:$0x12700] =	vst v63  }
0x2c: {  	s22 =	rddreg [dreg:$0xe]  }
0x2d: {  	[tilespmem:s29], [sflag:$0x2] =	stream.linear.gather [hbm4b:s22+s3], $0xC40, $0x38;
	[tilespmem:$0x12700] =	vst v63  }
0x2e: {  	s24 =	rddreg [dreg:$0xf]  }
0x2f: {  	[tilespmem:s30], [sflag:$0x2] =	stream.linear.gather [hbm4b:s24+s3], $0xC40, $0x38;
	[tilespmem:$0x12700] =	vst v63  }
0x30: {  	s16 =	rddreg [dreg:$0x10]  }
0x31: {  	[tilespmem:s31], [sflag:$0x2] =	stream.linear.gather [hbm4b:s16+s3], $0xC40, $0x38;
	[tilespmem:$0x12700] =	vst v63  }
0x32: {  	s22 =	rddreg [dreg:$0x11];
	s24 =	simm.s32 $0x10D80  }
0x33: {  	[tilespmem:s24], [sflag:$0x2] =	stream.linear.gather [hbm4b:s22+s3], $0xC40, $0x38;
	[tilespmem:$0x12700] =	vst v63  }
0x34: {  	_ =	swait.ge [sflag:s0], $0x1880  }
0x35: {  	[sflag:s0] =	ssyncset.done $0x0  }
0x36: {  	[sflag:s0] =	ssyncadd.s32 $0xFFFFE780  }
0x37: {  	_ =	swait.ge [sflag:s0], $0x1880  }
0x38: {  	[sflag:s0] =	ssyncset.done $0x0  }
0x39: {  	s22 =	simm.s32 $0x6200;
	[sflag:s0] =	ssyncadd.s32 $0xFFFFE780  }
0x3a: {  	[tilespmem:s22], [sflag:$0x3] =	stream.indirect.gather [hbm4b:s1+s26], $0x1, s15, s26, $0xb8;
	[tilespmem:$0x12700] =	vst v63  }
0x3b: {  	s24 =	simm.s32 $0x7A80  }
0x3c: {  	[tilespmem:s24], [sflag:$0x3] =	stream.indirect.gather [hbm4b:s1+s26], $0x1, s25, s26, $0xb8;
	[tilespmem:$0x12700] =	vst v63  }
0x3d: {  	s16 =	simm.s32 $0x6820;
	s15 =	simm.s32 $0x3720  }
0x3e: {  	[tilespmem:s16], [sflag:$0x4] =	stream.indirect.gather [hbm4b:s1+s26], $0x1, s15, s26, $0xb8;
	[tilespmem:$0x12700] =	vst v63  }
0x3f: {  	s22 =	simm.s32 $0x4FA0;
	s24 =	simm.s32 $0x80A0  }
0x40: {  	[tilespmem:s24], [sflag:$0x4] =	stream.indirect.gather [hbm4b:s1+s26], $0x1, s22, s26, $0xb8;
	[tilespmem:$0x12700] =	vst v63  }
0x41: {  	s15 =	simm.s32 $0x3D40;
	s16 =	simm.s32 $0x6E40  }
0x42: {  	[tilespmem:s16], [sflag:$0x5] =	stream.indirect.gather [hbm4b:s1+s26], $0x1, s15, s26, $0xb8;
	[tilespmem:$0x12700] =	vst v63  }
0x43: {  	s22 =	simm.s32 $0x55C0;
	s24 =	simm.s32 $0x86C0  }
0x44: {  	[tilespmem:s24], [sflag:$0x5] =	stream.indirect.gather [hbm4b:s1+s26], $0x1, s22, s26, $0xb8;
	[tilespmem:$0x12700] =	vst v63  }
0x45: {  	s15 =	simm.s32 $0x4360;
	s16 =	simm.s32 $0x7460  }
0x46: {  	[tilespmem:s16], [sflag:$0x6] =	stream.indirect.gather [hbm4b:s1+s26], $0x1, s15, s26, $0xb8;
	[tilespmem:$0x12700] =	vst v63  }
0x47: {  	s22 =	simm.s32 $0x5BE0;
	s24 =	simm.s32 $0x8CE0  }
0x48: {  	[tilespmem:s24], [sflag:$0x6] =	stream.indirect.gather [hbm4b:s1+s26], $0x1, s22, s26, $0xb8;
	[tilespmem:$0x12700] =	vst v63  }
0x49: {  	_ =	swait.ge [sflag:s0], $0x1880  }
0x4a: {  	[sflag:s0] =	ssyncset.done $0x0  }
0x4b: {  	[sflag:s0] =	ssyncadd.s32 $0xFFFFE780  }
0x4c: {  	_ =	swait.ge [sflag:s0], $0x1880  }
0x4d: {  	[sflag:s0] =	ssyncset.done $0x0  }
0x4e: {  	[sflag:s0] =	ssyncadd.s32 $0xFFFFE780  }
0x4f: {  	_ =	swait.ge [sflag:s2], $0x620  }
0x50: {  	[sflag:s2] =	ssyncset.done $0x0  }
0x51: {  	[sflag:s2] =	ssyncadd.s32 $0xFFFFF9E0  }
0x52: {  	_ =	swait.ge [sflag:s2], $0x620  }
0x53: {  	[sflag:s2] =	ssyncset.done $0x0  }
0x54: {  	s13 =	simm.s32 $0x0;
	[sflag:s2] =	ssyncadd.s32 $0xFFFFF9E0  }
0x55: {  	v3 =	vld [tilespmem:s13+$0x1880]  }
0x56: {  	v4 =	vld [tilespmem:s13+$0x0]  }
0x57: {  	v2 =	vld [tilespmem:s13+$0x6200]  }
0x58: {  	v5 =	vld [tilespmem:s13+$0x7A80]  }
0x59: {  	s15 =	simm.s32 $0x40  }
.LBB2_2:
0x5a: {  	s22 =	sshra.s32 s15, $0x2;
	p0 =	sne.s32 s15, $0x1840;
	s15 =	sadd.s32 $0x40, s15;
	vm0 =	veq.s32 v3, $0x4  }
.Ltmp0:
0x5b: {  	v3 =	vld [tilespmem:s22+$0x1880];
	v6 =	vsel vm0, $0x0, v4;
	(pc) =	sbr.rel @p0 .LBB2_2-.Ltmp0, $4  }
0x5c: {  	v4 =	vld [tilespmem:s22+$0x0];
	v7 =	vsub.f32 $0.0e+00, v6  }
0x5d: {  	vm0 =	vgt.f32 v2, v5;
	v2 =	vld [tilespmem:s22+$0x6200]  }
0x5e: {  	v5 =	vld [tilespmem:s22+$0x7A80];
	v6 =	vsel vm0, v6, v7  }
0x5f: {  	[tilespmem:s13+$0x9300] =	vst v6;
	s13 =	smov.u32 s22  }
0x60: {  	vm0 =	veq.s32 v3, $0x4  }
0x61: {  	v3 =	vsel vm0, $0x0, v4  }
0x62: {  	v4 =	vsub.f32 $0.0e+00, v3  }
0x63: {  	vm15 =	vgt.f32 v2, v5  }
0x64: {  	v2 =	vsel vm15, v3, v4  }
0x65: {  	s24 =	simm.s32 $0x0;
	s15 =	simm.s32 $0x9300;
	[tilespmem:s13+$0x9300] =	vst v2  }
0x66: {  	[hbm4b:s14+s24] =	stream.linear.scatter [tilespmem:s15], [sflag:$0x7], $0x620, $0x38;
	[tilespmem:$0x12700] =	vst v63  }
0x67: {  	_ =	swait.ge [sflag:s6], $0x620  }
0x68: {  	[sflag:s6] =	ssyncset.done $0x0  }
0x69: {  	[sflag:s6] =	ssyncadd.s32 $0xFFFFF9E0  }
0x6a: {  	_ =	swait.ge [sflag:s6], $0x620  }
0x6b: {  	[sflag:s6] =	ssyncset.done $0x0  }
0x6c: {  	s13 =	simm.s32 $0x0;
	[sflag:s6] =	ssyncadd.s32 $0xFFFFF9E0  }
0x6d: {  	v3 =	vld [tilespmem:s13+$0x1EA0]  }
0x6e: {  	v4 =	vld [tilespmem:s13+$0x620]  }
0x6f: {  	v2 =	vld [tilespmem:s13+$0x6820]  }
0x70: {  	v5 =	vld [tilespmem:s13+$0x80A0]  }
0x71: {  	s15 =	simm.s32 $0x40  }
.LBB2_4:
0x72: {  	s22 =	sshra.s32 s15, $0x2;
	p0 =	sne.s32 s15, $0x1840;
	s15 =	sadd.s32 $0x40, s15;
	vm0 =	veq.s32 v3, $0x4  }
.Ltmp1:
0x73: {  	v3 =	vld [tilespmem:s22+$0x1EA0];
	v6 =	vsel vm0, $0x0, v4;
	(pc) =	sbr.rel @p0 .LBB2_4-.Ltmp1, $4  }
0x74: {  	v4 =	vld [tilespmem:s22+$0x620];
	v7 =	vsub.f32 $0.0e+00, v6  }
0x75: {  	vm0 =	vgt.f32 v2, v5;
	v2 =	vld [tilespmem:s22+$0x6820]  }
0x76: {  	v5 =	vld [tilespmem:s22+$0x80A0];
	v6 =	vsel vm0, v6, v7  }
0x77: {  	[tilespmem:s13+$0x9920] =	vst v6;
	s13 =	smov.u32 s22  }
0x78: {  	vm0 =	veq.s32 v3, $0x4  }
0x79: {  	v3 =	vsel vm0, $0x0, v4  }
0x7a: {  	v4 =	vsub.f32 $0.0e+00, v3  }
0x7b: {  	vm15 =	vgt.f32 v2, v5  }
0x7c: {  	v2 =	vsel vm15, v3, v4  }
0x7d: {  	s24 =	simm.s32 $0x0;
	s15 =	rddreg [dreg:$0x12];
	s16 =	simm.s32 $0x9920;
	[tilespmem:s13+$0x9920] =	vst v2  }
0x7e: {  	[hbm4b:s15+s24] =	stream.linear.scatter [tilespmem:s16], [sflag:$0x7], $0x620, $0x38;
	[tilespmem:$0x12700] =	vst v63  }
0x7f: {  	_ =	swait.ge [sflag:s7], $0x620  }
0x80: {  	[sflag:s7] =	ssyncset.done $0x0  }
0x81: {  	[sflag:s7] =	ssyncadd.s32 $0xFFFFF9E0  }
0x82: {  	_ =	swait.ge [sflag:s7], $0x620  }
0x83: {  	[sflag:s7] =	ssyncset.done $0x0  }
0x84: {  	s13 =	simm.s32 $0x0;
	[sflag:s7] =	ssyncadd.s32 $0xFFFFF9E0  }
0x85: {  	v3 =	vld [tilespmem:s13+$0x24C0]  }
0x86: {  	v4 =	vld [tilespmem:s13+$0xC40]  }
0x87: {  	v2 =	vld [tilespmem:s13+$0x6E40]  }
0x88: {  	v5 =	vld [tilespmem:s13+$0x86C0]  }
0x89: {  	s15 =	simm.s32 $0x40  }
.LBB2_6:
0x8a: {  	s22 =	sshra.s32 s15, $0x2;
	p0 =	sne.s32 s15, $0x1840;
	s15 =	sadd.s32 $0x40, s15;
	vm0 =	veq.s32 v3, $0x4  }
.Ltmp2:
0x8b: {  	v3 =	vld [tilespmem:s22+$0x24C0];
	v6 =	vsel vm0, $0x0, v4;
	(pc) =	sbr.rel @p0 .LBB2_6-.Ltmp2, $4  }
0x8c: {  	v4 =	vld [tilespmem:s22+$0xC40];
	v7 =	vsub.f32 $0.0e+00, v6  }
0x8d: {  	vm0 =	vgt.f32 v2, v5;
	v2 =	vld [tilespmem:s22+$0x6E40]  }
0x8e: {  	v5 =	vld [tilespmem:s22+$0x86C0];
	v6 =	vsel vm0, v6, v7  }
0x8f: {  	[tilespmem:s13+$0x9F40] =	vst v6;
	s13 =	smov.u32 s22  }
0x90: {  	vm0 =	veq.s32 v3, $0x4  }
0x91: {  	v3 =	vsel vm0, $0x0, v4  }
0x92: {  	v4 =	vsub.f32 $0.0e+00, v3  }
0x93: {  	vm15 =	vgt.f32 v2, v5  }
0x94: {  	v2 =	vsel vm15, v3, v4  }
0x95: {  	s24 =	simm.s32 $0x0;
	s15 =	simm.s32 $0x9F40;
	[tilespmem:s13+$0x9F40] =	vst v2  }
0x96: {  	[hbm4b:s17+s24] =	stream.linear.scatter [tilespmem:s15], [sflag:$0x7], $0x620, $0x38;
	[tilespmem:$0x12700] =	vst v63  }
0x97: {  	_ =	swait.ge [sflag:s8], $0x620  }
0x98: {  	[sflag:s8] =	ssyncset.done $0x0  }
0x99: {  	[sflag:s8] =	ssyncadd.s32 $0xFFFFF9E0  }
0x9a: {  	_ =	swait.ge [sflag:s8], $0x620  }
0x9b: {  	[sflag:s8] =	ssyncset.done $0x0  }
0x9c: {  	s13 =	simm.s32 $0x0;
	[sflag:s8] =	ssyncadd.s32 $0xFFFFF9E0  }
0x9d: {  	v3 =	vld [tilespmem:s13+$0x2AE0]  }
0x9e: {  	v4 =	vld [tilespmem:s13+$0x1260]  }
0x9f: {  	v2 =	vld [tilespmem:s13+$0x7460]  }
0xa0: {  	v5 =	vld [tilespmem:s13+$0x8CE0]  }
0xa1: {  	s15 =	simm.s32 $0x40  }
.LBB2_8:
0xa2: {  	s22 =	sshra.s32 s15, $0x2;
	p0 =	sne.s32 s15, $0x1840;
	s15 =	sadd.s32 $0x40, s15;
	vm0 =	veq.s32 v3, $0x4  }
.Ltmp3:
0xa3: {  	v3 =	vld [tilespmem:s22+$0x2AE0];
	v6 =	vsel vm0, $0x0, v4;
	(pc) =	sbr.rel @p0 .LBB2_8-.Ltmp3, $4  }
0xa4: {  	v4 =	vld [tilespmem:s22+$0x1260];
	v7 =	vsub.f32 $0.0e+00, v6  }
0xa5: {  	vm0 =	vgt.f32 v2, v5;
	v2 =	vld [tilespmem:s22+$0x7460]  }
0xa6: {  	v5 =	vld [tilespmem:s22+$0x8CE0];
	v6 =	vsel vm0, v6, v7  }
0xa7: {  	[tilespmem:s13+$0xA560] =	vst v6;
	s13 =	smov.u32 s22  }
0xa8: {  	vm0 =	veq.s32 v3, $0x4  }
0xa9: {  	v3 =	vsel vm0, $0x0, v4  }
0xaa: {  	v4 =	vsub.f32 $0.0e+00, v3  }
0xab: {  	vm15 =	vgt.f32 v2, v5  }
0xac: {  	v2 =	vsel vm15, v3, v4  }
0xad: {  	s15 =	simm.s32 $0xA560;
	[tilespmem:s13+$0xA560] =	vst v2;
	s13 =	simm.s32 $0x0  }
0xae: {  	[hbm4b:s18+s13] =	stream.linear.scatter [tilespmem:s15], [sflag:$0x7], $0x620, $0x38;
	[tilespmem:$0x12700] =	vst v63  }
0xaf: {  	_ =	swait.ge [sflag:s9], $0x620  }
0xb0: {  	[sflag:s9] =	ssyncset.done $0x0  }
0xb1: {  	[sflag:s9] =	ssyncadd.s32 $0xFFFFF9E0  }
0xb2: {  	_ =	swait.ge [sflag:s9], $0x620  }
0xb3: {  	[sflag:s9] =	ssyncset.done $0x0  }
0xb4: {  	[sflag:s9] =	ssyncadd.s32 $0xFFFFF9E0  }
0xb5: {  	_ =	swait.ge [sflag:s9], $0x620  }
0xb6: {  	[sflag:s9] =	ssyncset.done $0x0  }
0xb7: {  	[sflag:s9] =	ssyncadd.s32 $0xFFFFF9E0  }
0xb8: {  	_ =	swait.ge [sflag:s9], $0x620  }
0xb9: {  	[sflag:s9] =	ssyncset.done $0x0  }
0xba: {  	[sflag:s9] =	ssyncadd.s32 $0xFFFFF9E0  }
0xbb: {  	[bflag:$0x0] =	sbarrier.arrive $0xFFFF  }
0xbc: {  	s24 =	simm.s32 $0x12680;
	[tilespmem:$0x12680] =	vst v1  }
0xbd: {  	[hbm4b:s5+s13] =	stream.linear.scatter [tilespmem:s24], [sflag:$0x8], $0x10, $0x38;
	[tilespmem:$0x12700] =	vst v63  }
.Ltmp4:
0xbe: {  	_ = 	snop;
	(pc) =	sbr.rel .LBB2_10-.Ltmp4, $4  }
0xbf: {  	_ =	swait.ge [sflag:s23], $0x10  }
0xc0: {  	[sflag:s23] =	ssyncset.done $0x0  }
0xc1: {  	[sflag:s23] =	ssyncadd.s32 $0xFFFFFFF0  }
0xc2: {  	[tilespmem:$0x12680] =	vst v0  }
.LBB2_14:
0xc3: {  	s13 =	sadd.s32 $0x1, s13  }
0xc4: {  	p0 =	sne.s32 s13, $0x40  }
.Ltmp5:
0xc5: {  	_ = 	snop;
	(pc) =	sbr.rel @!p0 .LBB2_15-.Ltmp5, $1  }
0xc6: {  	_ =	sdelay $0x3  }
.LBB2_10:
0xc7: {  	v2 =	vld [tilespmem:$0x12680];
	_ =	sdelay $0x4  }
0xc8: {  	(v2sf) =	vpush v2, $0x0;
	_ =	sdelay $0xe  }
0xc9: {  	s15 =	spop (v2sf)  }
0xca: {  	p0 =	sne.s32 s15, $0x0  }
.Ltmp6:
0xcb: {  	_ = 	snop;
	(pc) =	sbr.rel @p0 .LBB2_14-.Ltmp6, $1  }
0xcc: {  	_ =	sdelay $0x3  }
0xcd: {  	v2 =	vld [tilespmem:$0x12680];
	_ =	sdelay $0x4  }
0xce: {  	(v2sf) =	vpush v2, $0x0;
	_ =	sdelay $0xe  }
0xcf: {  	s15 =	spop (v2sf)  }
0xd0: {  	p1 =	sne.s32 s15, $0x0  }
0xd1: {  	s15 =	simm.s32 @!p1 $0x0;
	s16 =	simm.s32 @!p1 $0x12680;
	s22 =	simm.s32 @!p1 $0x1  }
0xd2: {  	[tilespmem:s16], [sflag:$0x1] =	stream.linear.gather @!p1 [hbm4b:s19+s15], $0x10, $0x38;
	[tilespmem:$0x12700] =	vst v63  }
0xd3: {  	_ =	swait.ge @!p1 [sflag:s22], $0x10  }
0xd4: {  	s15 =	simm.s32 $0xF;
	[sflag:s22] =	ssyncset.done @!p1 $0x0  }
.LBB2_12:
0xd5: {  	s15 =	sadd.s32 $0xFFFFFFFF, s15;
	[sflag:s22] =	ssyncadd.s32 @!p1 $0xFFFFFFF0  }
0xd6: {  	v2 =	vld [tilespmem:$0x12680];
	p0 =	sne.s32 s15, $0x0;
	_ =	sdelay $0x4  }
0xd7: {  	(v2sf) =	vpush v2, $0x0;
	_ =	sdelay $0xe  }
0xd8: {  	s16 =	spop (v2sf)  }
.Ltmp7:
0xd9: {  	p1 =	sne.s32 s16, $0x0;
	(pc) =	sbr.rel @p0 .LBB2_12-.Ltmp7, $4  }
0xda: {  	s16 =	simm.s32 @!p1 $0x0;
	s24 =	simm.s32 @!p1 $0x12680;
	s22 =	simm.s32 @!p1 $0x1  }
0xdb: {  	[tilespmem:s24], [sflag:$0x1] =	stream.linear.gather @!p1 [hbm4b:s19+s16], $0x10, $0x38;
	[tilespmem:$0x12700] =	vst v63  }
0xdc: {  	_ =	swait.ge @!p1 [sflag:s22], $0x10  }
0xdd: {  	[sflag:s22] =	ssyncset.done @!p1 $0x0  }
.Ltmp8:
0xde: {  	(pc) =	sbr.rel .LBB2_14-.Ltmp8, $2  }
0xdf: {  	_ =	sdelay $0x2  }
0xe0: {  	[sflag:s22] =	ssyncadd.s32 @!p1 $0xFFFFFFF0  }
.LBB2_15:
0xe1: {  	_ =	swait.ge [sflag:s10], $0xC40  }
0xe2: {  	[sflag:s10] =	ssyncset.done $0x0  }
0xe3: {  	s13 =	simm.s32 $0xDC80;
	[sflag:s10] =	ssyncadd.s32 $0xFFFFF3C0  }
0xe4: {  	[tilespmem:s13], [sflag:$0x3] =	stream.indirect.gather [hbm4b:s4+s11], $0x1, s28, s11, $0xb8;
	[tilespmem:$0x12700] =	vst v63  }
0xe5: {  	_ =	swait.ge [sflag:s10], $0xC40  }
0xe6: {  	[sflag:s10] =	ssyncset.done $0x0  }
0xe7: {  	s16 =	simm.s32 $0xE8C0;
	[sflag:s10] =	ssyncadd.s32 $0xFFFFF3C0  }
0xe8: {  	[tilespmem:s16], [sflag:$0x4] =	stream.indirect.gather [hbm4b:s4+s11], $0x1, s29, s11, $0xb8;
	[tilespmem:$0x12700] =	vst v63  }
0xe9: {  	_ =	swait.ge [sflag:s10], $0xC40  }
0xea: {  	[sflag:s10] =	ssyncset.done $0x0  }
0xeb: {  	s22 =	simm.s32 $0xF500;
	[sflag:s10] =	ssyncadd.s32 $0xFFFFF3C0  }
0xec: {  	[tilespmem:s22], [sflag:$0x5] =	stream.indirect.gather [hbm4b:s4+s11], $0x1, s30, s11, $0xb8;
	[tilespmem:$0x12700] =	vst v63  }
0xed: {  	_ =	swait.ge [sflag:s10], $0xC40  }
0xee: {  	[sflag:s10] =	ssyncset.done $0x0  }
0xef: {  	s24 =	simm.s32 $0x10140;
	[sflag:s10] =	ssyncadd.s32 $0xFFFFF3C0  }
0xf0: {  	[tilespmem:s24], [sflag:$0x6] =	stream.indirect.gather [hbm4b:s4+s11], $0x1, s31, s11, $0xb8;
	[tilespmem:$0x12700] =	vst v63  }
0xf1: {  	_ =	swait.ge [sflag:s2], $0xC40  }
0xf2: {  	[sflag:s2] =	ssyncset.done $0x0  }
0xf3: {  	s13 =	simm.s32 $0x0;
	[sflag:s2] =	ssyncadd.s32 $0xFFFFF3C0  }
0xf4: {  	s15 =	simm.s32 $0x40;
	v2 =	vld [tilespmem:s13+$0xDC80]  }
.LBB2_16:
0xf5: {  	p0 =	sne.s32 s15, $0x30C0  }
.Ltmp9:
0xf6: {  	_ = 	snop;
	(pc) =	sbr.rel @p0 .LBB2_16-.Ltmp9, $3  }
0xf7: {  	_ =	sdelay $0x1  }
0xf8: {  	[tilespmem:s13+$0x11A00] =	vst v2;
	s13 =	sshra.s32 s15, $0x2;
	s15 =	sadd.s32 $0x40, s15  }
0xf9: {  	v2 =	vld [tilespmem:s13+$0xDC80]  }
0xfa: {  	_ =	sdelay $0x3  }
0xfb: {  	[tilespmem:s13+$0x11A00] =	vst v2  }
0xfc: {  	_ =	swait.ge [sflag:s6], $0xC40  }
0xfd: {  	[sflag:s6] =	ssyncset.done $0x0  }
0xfe: {  	s13 =	simm.s32 $0x0;
	[sflag:s6] =	ssyncadd.s32 $0xFFFFF3C0  }
0xff: {  	s15 =	simm.s32 $0x40;
	v2 =	vld [tilespmem:s13+$0xE8C0]  }
.LBB2_18:
0x100: {  	p0 =	sne.s32 s15, $0x30C0;
	v3 =	vld [tilespmem:s13+$0x11A00];
	_ =	sdelay $0x2  }
.Ltmp10:
0x101: {  	(pc) =	sbr.rel @p0 .LBB2_18-.Ltmp10, $4  }
0x102: {  	_ = 	snop  }
0x103: {  	v3 =	vadd.f32 v3, v2  }
0x104: {  	s16 =	sshra.s32 s15, $0x2  }
0x105: {  	s15 =	sadd.s32 $0x40, s15;
	v2 =	vld [tilespmem:s16+$0xE8C0];
	[tilespmem:s13+$0x11A00] =	vst v3;
	s13 =	smov.u32 s16  }
0x106: {  	v3 =	vld [tilespmem:s13+$0x11A00];
	_ =	sdelay $0x4  }
0x107: {  	v2 =	vadd.f32 v3, v2;
	_ =	sdelay $0x1  }
0x108: {  	[tilespmem:s13+$0x11A00] =	vst v2  }
0x109: {  	_ =	swait.ge [sflag:s7], $0xC40  }
0x10a: {  	[sflag:s7] =	ssyncset.done $0x0  }
0x10b: {  	s15 =	simm.s32 $0x0;
	s13 =	simm.s32 $0x11A00;
	[sflag:s7] =	ssyncadd.s32 $0xFFFFF3C0  }
0x10c: {  	s22 =	sand.u32 $0xFF0, s15;
	s15 =	simm.s32 $0x10;
	v2 =	vld [tilespmem:s13+$0x0]  }
.LBB2_20:
0x10d: {  	p0 =	sne.s32 s15, $0xC30;
	v3 =	vld [tilespmem:s22+$0xF500];
	_ =	sdelay $0x3  }
.Ltmp11:
0x10e: {  	(pc) =	sbr.rel @p0 .LBB2_20-.Ltmp11, $3  }
0x10f: {  	v2 =	vadd.f32 v2, v3;
	_ =	sdelay $0x1  }
0x110: {  	[tilespmem:s13+$0x0] =	vst v2;
	s13 =	sadd.s32 $0x10, s13  }
0x111: {  	s22 =	sand.u32 $0xFF0, s15;
	s15 =	sadd.s32 $0x10, s15;
	v2 =	vld [tilespmem:s13+$0x0]  }
0x112: {  	v3 =	vld [tilespmem:s22+$0xF500];
	_ =	sdelay $0x4  }
0x113: {  	v2 =	vadd.f32 v2, v3;
	_ =	sdelay $0x1  }
0x114: {  	[tilespmem:s13+$0x0] =	vst v2  }
0x115: {  	_ =	swait.ge [sflag:s8], $0xC40  }
0x116: {  	[sflag:s8] =	ssyncset.done $0x0  }
0x117: {  	[sflag:s8] =	ssyncadd.s32 $0xFFFFF3C0  }
0x118: {  	_ =	swait.ge [sflag:s10], $0xC40  }
0x119: {  	[sflag:s10] =	ssyncset.done $0x0  }
0x11a: {  	s13 =	simm.s32 $0x0;
	[sflag:s10] =	ssyncadd.s32 $0xFFFFF3C0  }
0x11b: {  	s15 =	simm.s32 $0x40;
	v2 =	vld [tilespmem:s13+$0x10140]  }
.LBB2_22:
0x11c: {  	p0 =	sne.s32 s15, $0x30C0;
	v3 =	vld [tilespmem:s13+$0x11A00];
	_ =	sdelay $0x1  }
0x11d: {  	v4 =	vld [tilespmem:s13+$0x10D80];
	_ =	sdelay $0x2  }
.Ltmp12:
0x11e: {  	v2 =	vadd.f32 v3, v2;
	(pc) =	sbr.rel @p0 .LBB2_22-.Ltmp12, $4  }
0x11f: {  	_ = 	snop  }
0x120: {  	v3 =	vsub.f32 v2, v4  }
0x121: {  	s16 =	sshra.s32 s15, $0x2  }
0x122: {  	s15 =	sadd.s32 $0x40, s15;
	v2 =	vld [tilespmem:s16+$0x10140];
	[tilespmem:s13+$0x11A00] =	vst v3;
	s13 =	smov.u32 s16  }
0x123: {  	v3 =	vld [tilespmem:s13+$0x11A00];
	_ =	sdelay $0x1  }
0x124: {  	v4 =	vld [tilespmem:s13+$0x10D80];
	_ =	sdelay $0x2  }
0x125: {  	v2 =	vadd.f32 v3, v2;
	_ =	sdelay $0x1  }
0x126: {  	s12 =	sadd.s32 $0x1, s12;
	v2 =	vsub.f32 v2, v4  }
0x127: {  	p0 =	sne.s32 s12, s21  }
.Ltmp13:
0x128: {  	s24 =	simm.s32 $0x11A00;
	[tilespmem:s13+$0x11A00] =	vst v2;
	(pc) =	sbr.rel @p0 .LBB2_1-.Ltmp13, $4  }
0x129: {  	[hbm4b:s20+s3] =	stream.linear.scatter [tilespmem:s24], [sflag:$0x8], $0xC40, $0x38;
	[tilespmem:$0x12700] =	vst v63  }
0x12a: {  	_ =	swait.ge [sflag:s23], $0xC40  }
0x12b: {  	[sflag:s23] =	ssyncset.done $0x0  }
0x12c: {  	[sflag:s23] =	ssyncadd.s32 $0xFFFFF3C0  }
0x12d: {  	_ =	sfence.sel $0x180000  }
0x12e: {  	[bflag:$0x0] =	sbarrier.arrive $0xFFFF  }
0x12f: {  	_ =	strace $0x90000047  }
0x130: {  	s0 =	stileid.u32;
	[bflag:$0x2] =	sbarrier.arrive $0xFFFF  }
0x131: {  	p0 =	sne.s32 s0, $0x0;
	s0 =	rddreg [dreg:$0x8]  }
0x132: {  	s0 =	sadd.s32 @!p0 $0x100000, s0  }
0x133: {  	[sflag:s0] =	ssyncadd.tile.s32 @!p0 $0x1;
	_ =	shalt  }
.Lfunc_end2:
_tile_overlayer_lowered:
.L_overlay_start_2:
0x134: {  	(tag) =	ssettag $0x2  }
0x135: {  	s0 =	rddreg [dreg:$0x0];
	s2 =	stileid.u32  }
0x136: {  	s1 =	rddreg [dreg:$0x1];
	p0 =	sne.s32 s2, $0x0  }
0x137: {  	s3 =	rddreg [dreg:$0x2];
	[bflag:$0x3] =	sbarrier.arrive $0xFFFF;
	s2 =	simm.s32 @!p0 $0x1C08  }
0x138: {  	[timem:s3], [sflag:s2] =	dma.local @!p0 [hbm:s0], s1  }
0x139: {  	s0 =	simm.s32 @!p0 $0x8  }
0x13a: {  	_ =	swait.ge @!p0 [sflag:s0], s1  }
0x13b: {  	s1 =	ssub.s32 @!p0 $0x0, s1;
	[sflag:s0] =	ssyncset.done @!p0 $0x0  }
0x13c: {  	[sflag:s0] =	ssyncadd.s32 @!p0 s1  }
0x13d: {  	[bflag:$0x3] =	sbarrier.arrive $0xFFFF  }
0x13e: {  	_ =	shalt  }

</sc_bundles>
